<compile_context>
chip_gen: v7x
topology: tpu7x:2x2x1
jax: 0.10.2.dev20260603
libtpu: 0.0.44.dev20260713+nightly
codegen_flags: <defaults>
</compile_context>

<pallas_src>
import jax
import jax.numpy as jnp
from jax import lax
from jax.experimental import pallas as pl
from jax.experimental.pallas import tpu as pltpu
from jax.experimental.pallas import tpu_sc as plsc

_B = 1024
_S = 200
_NN = 1000
_NF = 64
_FLAT = _NN * _NF
_TOT = _B * _FLAT
_L = 16
_NC = 2
_NS = 16
_NW = _NC * _NS
_BPW = _B // _NW
_SPAD = 224
_NCHUNK = _SPAD // _L


def _tc_zero_body(o_ref):
    o_ref[...] = jnp.zeros_like(o_ref)


def _sc_body(obs_hbm, node_hbm, feat_hbm, out_hbm, acc, nodes_v, feats_v,
             vals_v, addr_v, gval_v, sem_in, sem_sc):
    wid = lax.axis_index("s") * _NC + lax.axis_index("c")
    zi = jnp.zeros((_L,), jnp.int32)
    zf = jnp.zeros((_L,), jnp.float32)

    def _zero(i, carry):
        base = i * (4 * _L)
        for k in range(4):
            acc[pl.ds(base + k * _L, _L)] = zf
        return carry

    lax.fori_loop(0, _FLAT // (4 * _L), _zero, None)

    def _zero_in(i, carry):
        nodes_v[pl.ds(i * _L, _L)] = zi
        feats_v[pl.ds(i * _L, _L)] = zi
        vals_v[pl.ds(i * _L, _L)] = zf
        return carry

    lax.fori_loop(0, _BPW * _SPAD // _L, _zero_in, None)

    def _fire_in(j, carry):
        b = wid * _BPW + j
        src = pl.ds(b * _S, _S)
        dst = pl.ds(j * _SPAD, _S)
        pltpu.async_copy(node_hbm.at[src], nodes_v.at[dst], sem_in)
        pltpu.async_copy(feat_hbm.at[src], feats_v.at[dst], sem_in)
        pltpu.async_copy(obs_hbm.at[src], vals_v.at[dst], sem_in)
        return carry

    lax.fori_loop(0, _BPW, _fire_in, None)

    def _drain_in(j, carry):
        b = wid * _BPW + j
        src = pl.ds(b * _S, _S)
        dst = pl.ds(j * _SPAD, _S)
        pltpu.make_async_copy(node_hbm.at[src], nodes_v.at[dst], sem_in).wait()
        pltpu.make_async_copy(feat_hbm.at[src], feats_v.at[dst], sem_in).wait()
        pltpu.make_async_copy(obs_hbm.at[src], vals_v.at[dst], sem_in).wait()
        return carry

    lax.fori_loop(0, _BPW, _drain_in, None)

    def _batch(j, carry):
        b = wid * _BPW + j
        rbase = j * _SPAD
        for c in range(_NCHUNK):
            sl = pl.ds(rbase + c * _L, _L)
            idx = nodes_v[sl] * _NF + feats_v[sl]
            plsc.addupdate_scatter(acc, [idx], vals_v[sl])
        sb = ((b >> 7) << 10) + (b & 127)
        for c in range(_NCHUNK):
            sl = pl.ds(rbase + c * _L, _L)
            n16 = nodes_v[sl]
            f16 = feats_v[sl]
            idx = n16 * _NF + f16
            g = plsc.load_gather(acc, [idx])
            paddr = (n16 * 65536 + ((f16 >> 3) << 13) + ((f16 & 7) << 7)
                     + sb)
            r = 2 * j + c // 7
            col = (c % 7) * _L
            addr_v[r, pl.ds(col, _L)] = paddr
            gval_v[r, pl.ds(col, _L)] = g
        for c in range(_NCHUNK):
            sl = pl.ds(rbase + c * _L, _L)
            idx = nodes_v[sl] * _NF + feats_v[sl]
            plsc.store_scatter(acc, [idx], zf)
        pltpu.async_copy(gval_v.at[2 * j], out_hbm.at[addr_v.at[2 * j]],
                         sem_sc)
        pltpu.async_copy(gval_v.at[2 * j + 1],
                         out_hbm.at[addr_v.at[2 * j + 1]], sem_sc)
        return carry

    lax.fori_loop(0, _BPW, _batch, None)

    def _drain_sc(r, carry):
        pltpu.make_async_copy(gval_v.at[r], out_hbm.at[addr_v.at[r]],
                              sem_sc).wait()
        return carry

    lax.fori_loop(0, 2 * _BPW, _drain_sc, None)


def kernel(obs_vec, node_ids, feat_ids):
    zeros2d = pl.pallas_call(
        _tc_zero_body,
        out_shape=jax.ShapeDtypeStruct((_TOT // 128, 128), jnp.float32),
        grid=(125,),
        out_specs=pl.BlockSpec((_TOT // 128 // 125, 128), lambda i: (i, 0)),
    )()
    flat = zeros2d.reshape(_TOT)

    mesh = plsc.VectorSubcoreMesh(core_axis_name="c", subcore_axis_name="s",
                                  num_cores=_NC, num_subcores=_NS)
    k = pl.kernel(
        _sc_body,
        out_type=(),
        mesh=mesh,
        scratch_types=[
            pltpu.VMEM((_FLAT,), jnp.float32),
            pltpu.VMEM((_BPW * _SPAD,), jnp.int32),
            pltpu.VMEM((_BPW * _SPAD,), jnp.int32),
            pltpu.VMEM((_BPW * _SPAD,), jnp.float32),
            pltpu.VMEM((2 * _BPW, 7 * _L), jnp.int32),
            pltpu.VMEM((2 * _BPW, 7 * _L), jnp.float32),
            pltpu.SemaphoreType.DMA,
            pltpu.SemaphoreType.DMA,
        ],
        compiler_params=pltpu.CompilerParams(needs_layout_passes=False),
    )
    ref = jax.new_ref(flat)
    k(obs_vec.reshape(-1), node_ids.astype(jnp.int32).reshape(-1),
      feat_ids.astype(jnp.int32).reshape(-1), ref)
    out = ref[...]
    out = out.reshape(_NN, 8, 8, 8, 128).transpose(2, 4, 0, 1, 3)
    return out.reshape(_B, _NN, _NF)

# --- scband reference (transcript-rebuilt; emitter-appended) ---
"""Pipeline reference for scband-input-expander-63617055588568 (READ-ONLY COPY).

The authoritative reference and input builder live on the scoring server;
editing this copy changes nothing except your own understanding.
"""

import jax, jax.numpy as jnp
import numpy as np

N_NODES = 1000
N_FEATS = 64

def setup_inputs(seed: int = 0) -> dict:
    key = jax.random.key(seed)
    k1, k2, k3 = jax.random.split(key, 3)
    obs_vec = jax.random.normal(k1, (1024, 200), dtype=jnp.float32)
    node_ids = jax.random.randint(k2, (1024, 200), 0, N_NODES, dtype=jnp.int64 if jax.config.jax_enable_x64 else jnp.int32).astype(jnp.int32)
    feat_ids = jax.random.randint(k3, (1024, 200), 0, N_FEATS, dtype=jnp.int64 if jax.config.jax_enable_x64 else jnp.int32).astype(jnp.int32)
    return {"obs_vec": obs_vec, "node_ids": node_ids, "feat_ids": feat_ids}

def reference(obs_vec, node_ids, feat_ids):
    # Faithful translation of InputExpander.call
    node_ids = node_ids.astype(jnp.int32)
    feat_ids = feat_ids.astype(jnp.int32)
    batch_size = obs_vec.shape[0]
    seq_len = obs_vec.shape[1]
    batch_ids = jnp.tile(jnp.arange(batch_size, dtype=jnp.int32)[:, None], (1, seq_len))
    batch_ids = batch_ids.reshape(-1)
    n_ids = node_ids.reshape(-1)
    f_ids = feat_ids.reshape(-1)
    vals = obs_vec.reshape(-1)
    # tf.scatter_nd sums contributions at duplicate indices -> .at[...].add
    obs_mat = jnp.zeros((batch_size, N_NODES, N_FEATS), dtype=obs_vec.dtype)
    obs_mat = obs_mat.at[batch_ids, n_ids, f_ids].add(vals)
    return obs_mat

if __name__ == "__main__":
    import jax
    _d = setup_inputs()
    print(jax.jit(kernel)(*tuple(_d.values())))

</pallas_src>

<mosaic_0001>
#map = affine_map<(d0, d1) -> (0)>
module attributes {stable_mosaic.version = 14 : i64} {
  func.func @new_body(%arg0: i32, %arg1: i32, %arg2: memref<204800xf32, #tpu.memory_space<hbm>>, %arg3: memref<204800xi32, #tpu.memory_space<hbm>>, %arg4: memref<204800xi32, #tpu.memory_space<hbm>>, %arg5: memref<65536000xf32, #tpu.memory_space<hbm>>, %arg6: memref<65536000xf32, #tpu.memory_space<hbm>>, %arg7: memref<64000xf32, #tpu.memory_space<vmem>>, %arg8: memref<7168xi32, #tpu.memory_space<vmem>>, %arg9: memref<7168xi32, #tpu.memory_space<vmem>>, %arg10: memref<7168xf32, #tpu.memory_space<vmem>>, %arg11: memref<64x112xi32, #tpu.memory_space<vmem>>, %arg12: memref<64x112xf32, #tpu.memory_space<vmem>>, %arg13: memref<!tpu.dma_semaphore, #tpu.memory_space<semaphore_mem>>, %arg14: memref<!tpu.dma_semaphore, #tpu.memory_space<semaphore_mem>>) attributes {dimension_semantics = [#tpu.dimension_semantics<core_parallel>, #tpu.dimension_semantics<subcore_parallel>], iteration_bounds = array<i64: 2, 16>, scalar_prefetch = 0 : i64, scratch_operands = 8 : i64, tpu.core_type = #tpu.core_type<sc_vector_subcore>, window_params = [{transform_indices = #map}, {transform_indices = #map}, {transform_indices = #map}, {transform_indices = #map}, {transform_indices = #map}]} {
    %mul3A = arith.constant 2 : i32
    %mul3A_0 = arith.muli %arg1, %mul3A : i32
    %add3A = arith.addi %mul3A_0, %arg0 : i32
    %broadcast_in_dim3A = arith.constant 0 : i32
    %broadcast_in_dim3A_1 = vector.broadcast %broadcast_in_dim3A : i32 to vector<16xi32>
    %broadcast_in_dim3A_2 = arith.constant 0.000000e+00 : f32
    %broadcast_in_dim3A_3 = vector.broadcast %broadcast_in_dim3A_2 : f32 to vector<16xf32>
    %scan3A = arith.constant 0 : i32
    %scan3A_4 = arith.constant 1000 : i32
    %scan3A_5 = arith.addi %scan3A, %scan3A_4 : i32
    %scan3A_6 = arith.constant 1 : i32
    scf.for %scan3A_33 = %scan3A to %scan3A_5 step %scan3A_6  : i32 {
      %mul3A_34 = arith.constant 64 : i32
      %mul3A_35 = arith.muli %scan3A_33, %mul3A_34 : i32
      %add3A_36 = arith.constant 0 : i32
      %add3A_37 = arith.addi %mul3A_35, %add3A_36 : i32
      %swap3A = arith.index_cast %add3A_37 : i32 to index
      %swap3A_38 = tpu.vector_load %arg7[%swap3A] {strides = array<i32>} : memref<64000xf32, #tpu.memory_space<vmem>>, vector<16xf32>,
      tpu.vector_store %arg7[%swap3A], %broadcast_in_dim3A_3 {strides = array<i32>} : memref<64000xf32, #tpu.memory_space<vmem>>, vector<16xf32>,
      %add3A_39 = arith.constant 16 : i32
      %add3A_40 = arith.addi %mul3A_35, %add3A_39 : i32
      %swap3A_41 = arith.index_cast %add3A_40 : i32 to index
      %swap3A_42 = tpu.vector_load %arg7[%swap3A_41] {strides = array<i32>} : memref<64000xf32, #tpu.memory_space<vmem>>, vector<16xf32>,
      tpu.vector_store %arg7[%swap3A_41], %broadcast_in_dim3A_3 {strides = array<i32>} : memref<64000xf32, #tpu.memory_space<vmem>>, vector<16xf32>,
      %add3A_43 = arith.constant 32 : i32
      %add3A_44 = arith.addi %mul3A_35, %add3A_43 : i32
      %swap3A_45 = arith.index_cast %add3A_44 : i32 to index
      %swap3A_46 = tpu.vector_load %arg7[%swap3A_45] {strides = array<i32>} : memref<64000xf32, #tpu.memory_space<vmem>>, vector<16xf32>,
      tpu.vector_store %arg7[%swap3A_45], %broadcast_in_dim3A_3 {strides = array<i32>} : memref<64000xf32, #tpu.memory_space<vmem>>, vector<16xf32>,
      %add3A_47 = arith.constant 48 : i32
      %add3A_48 = arith.addi %mul3A_35, %add3A_47 : i32
      %swap3A_49 = arith.index_cast %add3A_48 : i32 to index
      %swap3A_50 = tpu.vector_load %arg7[%swap3A_49] {strides = array<i32>} : memref<64000xf32, #tpu.memory_space<vmem>>, vector<16xf32>,
      tpu.vector_store %arg7[%swap3A_49], %broadcast_in_dim3A_3 {strides = array<i32>} : memref<64000xf32, #tpu.memory_space<vmem>>, vector<16xf32>,
    }
    %scan3A_7 = arith.constant 1000 : i32
    %scan3A_8 = arith.constant 0 : i32
    %scan3A_9 = arith.constant 448 : i32
    %scan3A_10 = arith.addi %scan3A_8, %scan3A_9 : i32
    %scan3A_11 = arith.constant 1 : i32
    scf.for %scan3A_33 = %scan3A_8 to %scan3A_10 step %scan3A_11  : i32 {
      %mul3A_34 = arith.constant 16 : i32
      %mul3A_35 = arith.muli %scan3A_33, %mul3A_34 : i32
      %swap3A = arith.index_cast %mul3A_35 : i32 to index
      %swap3A_36 = tpu.vector_load %arg8[%swap3A] {strides = array<i32>} : memref<7168xi32, #tpu.memory_space<vmem>>, vector<16xi32>,
      tpu.vector_store %arg8[%swap3A], %broadcast_in_dim3A_1 {strides = array<i32>} : memref<7168xi32, #tpu.memory_space<vmem>>, vector<16xi32>,
      %mul3A_37 = arith.constant 16 : i32
      %mul3A_38 = arith.muli %scan3A_33, %mul3A_37 : i32
      %swap3A_39 = arith.index_cast %mul3A_38 : i32 to index
      %swap3A_40 = tpu.vector_load %arg9[%swap3A_39] {strides = array<i32>} : memref<7168xi32, #tpu.memory_space<vmem>>, vector<16xi32>,
      tpu.vector_store %arg9[%swap3A_39], %broadcast_in_dim3A_1 {strides = array<i32>} : memref<7168xi32, #tpu.memory_space<vmem>>, vector<16xi32>,
      %mul3A_41 = arith.constant 16 : i32
      %mul3A_42 = arith.muli %scan3A_33, %mul3A_41 : i32
      %swap3A_43 = arith.index_cast %mul3A_42 : i32 to index
      %swap3A_44 = tpu.vector_load %arg10[%swap3A_43] {strides = array<i32>} : memref<7168xf32, #tpu.memory_space<vmem>>, vector<16xf32>,
      tpu.vector_store %arg10[%swap3A_43], %broadcast_in_dim3A_3 {strides = array<i32>} : memref<7168xf32, #tpu.memory_space<vmem>>, vector<16xf32>,
    }
    %scan3A_12 = arith.constant 448 : i32
    %scan3A_13 = arith.constant 0 : i32
    %scan3A_14 = arith.constant 32 : i32
    %scan3A_15 = arith.addi %scan3A_13, %scan3A_14 : i32
    %scan3A_16 = arith.constant 1 : i32
    scf.for %scan3A_33 = %scan3A_13 to %scan3A_15 step %scan3A_16  : i32 {
      %mul3A_34 = arith.constant 32 : i32
      %mul3A_35 = arith.muli %add3A, %mul3A_34 : i32
      %add3A_36 = arith.addi %mul3A_35, %scan3A_33 : i32
      %mul3A_37 = arith.constant 200 : i32
      %mul3A_38 = arith.muli %add3A_36, %mul3A_37 : i32
      %mul3A_39 = arith.constant 224 : i32
      %mul3A_40 = arith.muli %scan3A_33, %mul3A_39 : i32
      %dma_start3A = tpu.memref_slice %arg8[%mul3A_40] : memref<7168xi32, #tpu.memory_space<vmem>> -> memref<200xi32, #tpu.memory_space<vmem>>
      %dma_start3A_41 = tpu.memref_slice %arg3[%mul3A_38] : memref<204800xi32, #tpu.memory_space<hbm>> -> memref<200xi32, #tpu.memory_space<hbm>>
      %dma_start3A_42 = tpu.memref_slice %arg8[%mul3A_40] : memref<7168xi32, #tpu.memory_space<vmem>> -> memref<200xi32, #tpu.memory_space<vmem>>
      %dma_start3A_43 = tpu.memref_slice %arg3[%mul3A_38] : memref<204800xi32, #tpu.memory_space<hbm>> -> memref<200xi32, #tpu.memory_space<hbm>>
      tpu.enqueue_dma source(%dma_start3A_43 : memref<200xi32, #tpu.memory_space<hbm>>) target(%dma_start3A_42 : memref<200xi32, #tpu.memory_space<vmem>>) target_semaphore(%arg13 : memref<!tpu.dma_semaphore, #tpu.memory_space<semaphore_mem>>)
      %dma_start3A_44 = tpu.memref_slice %arg9[%mul3A_40] : memref<7168xi32, #tpu.memory_space<vmem>> -> memref<200xi32, #tpu.memory_space<vmem>>
      %dma_start3A_45 = tpu.memref_slice %arg4[%mul3A_38] : memref<204800xi32, #tpu.memory_space<hbm>> -> memref<200xi32, #tpu.memory_space<hbm>>
      %dma_start3A_46 = tpu.memref_slice %arg9[%mul3A_40] : memref<7168xi32, #tpu.memory_space<vmem>> -> memref<200xi32, #tpu.memory_space<vmem>>
      %dma_start3A_47 = tpu.memref_slice %arg4[%mul3A_38] : memref<204800xi32, #tpu.memory_space<hbm>> -> memref<200xi32, #tpu.memory_space<hbm>>
      tpu.enqueue_dma source(%dma_start3A_47 : memref<200xi32, #tpu.memory_space<hbm>>) target(%dma_start3A_46 : memref<200xi32, #tpu.memory_space<vmem>>) target_semaphore(%arg13 : memref<!tpu.dma_semaphore, #tpu.memory_space<semaphore_mem>>)
      %dma_start3A_48 = tpu.memref_slice %arg10[%mul3A_40] : memref<7168xf32, #tpu.memory_space<vmem>> -> memref<200xf32, #tpu.memory_space<vmem>>
      %dma_start3A_49 = tpu.memref_slice %arg2[%mul3A_38] : memref<204800xf32, #tpu.memory_space<hbm>> -> memref<200xf32, #tpu.memory_space<hbm>>
      %dma_start3A_50 = tpu.memref_slice %arg10[%mul3A_40] : memref<7168xf32, #tpu.memory_space<vmem>> -> memref<200xf32, #tpu.memory_space<vmem>>
      %dma_start3A_51 = tpu.memref_slice %arg2[%mul3A_38] : memref<204800xf32, #tpu.memory_space<hbm>> -> memref<200xf32, #tpu.memory_space<hbm>>
      tpu.enqueue_dma source(%dma_start3A_51 : memref<200xf32, #tpu.memory_space<hbm>>) target(%dma_start3A_50 : memref<200xf32, #tpu.memory_space<vmem>>) target_semaphore(%arg13 : memref<!tpu.dma_semaphore, #tpu.memory_space<semaphore_mem>>)
    }
    %scan3A_17 = arith.constant 32 : i32
    %scan3A_18 = arith.constant 0 : i32
    %scan3A_19 = arith.constant 32 : i32
    %scan3A_20 = arith.addi %scan3A_18, %scan3A_19 : i32
    %scan3A_21 = arith.constant 1 : i32
    scf.for %scan3A_33 = %scan3A_18 to %scan3A_20 step %scan3A_21  : i32 {
      %mul3A_34 = arith.constant 32 : i32
      %mul3A_35 = arith.muli %add3A, %mul3A_34 : i32
      %add3A_36 = arith.addi %mul3A_35, %scan3A_33 : i32
      %mul3A_37 = arith.constant 200 : i32
      %mul3A_38 = arith.muli %add3A_36, %mul3A_37 : i32
      %mul3A_39 = arith.constant 224 : i32
      %mul3A_40 = arith.muli %scan3A_33, %mul3A_39 : i32
      %dma_wait3A = tpu.memref_slice %arg8[%mul3A_40] : memref<7168xi32, #tpu.memory_space<vmem>> -> memref<200xi32, #tpu.memory_space<vmem>>
      %dma_wait3A_41 = tpu.memref_slice %arg3[%mul3A_38] : memref<204800xi32, #tpu.memory_space<hbm>> -> memref<200xi32, #tpu.memory_space<hbm>>
      %dma_wait3A_42 = tpu.memref_slice %arg8[%mul3A_40] : memref<7168xi32, #tpu.memory_space<vmem>> -> memref<200xi32, #tpu.memory_space<vmem>>
      %dma_wait3A_43 = tpu.memref_slice %arg3[%mul3A_38] : memref<204800xi32, #tpu.memory_space<hbm>> -> memref<200xi32, #tpu.memory_space<hbm>>
      tpu.wait_dma2 semaphore(%arg13 : memref<!tpu.dma_semaphore, #tpu.memory_space<semaphore_mem>>) src(%dma_wait3A_43 : memref<200xi32, #tpu.memory_space<hbm>>) dst(%dma_wait3A_42 : memref<200xi32, #tpu.memory_space<vmem>>)
      %dma_wait3A_44 = tpu.memref_slice %arg9[%mul3A_40] : memref<7168xi32, #tpu.memory_space<vmem>> -> memref<200xi32, #tpu.memory_space<vmem>>
      %dma_wait3A_45 = tpu.memref_slice %arg4[%mul3A_38] : memref<204800xi32, #tpu.memory_space<hbm>> -> memref<200xi32, #tpu.memory_space<hbm>>
      %dma_wait3A_46 = tpu.memref_slice %arg9[%mul3A_40] : memref<7168xi32, #tpu.memory_space<vmem>> -> memref<200xi32, #tpu.memory_space<vmem>>
      %dma_wait3A_47 = tpu.memref_slice %arg4[%mul3A_38] : memref<204800xi32, #tpu.memory_space<hbm>> -> memref<200xi32, #tpu.memory_space<hbm>>
      tpu.wait_dma2 semaphore(%arg13 : memref<!tpu.dma_semaphore, #tpu.memory_space<semaphore_mem>>) src(%dma_wait3A_47 : memref<200xi32, #tpu.memory_space<hbm>>) dst(%dma_wait3A_46 : memref<200xi32, #tpu.memory_space<vmem>>)
      %dma_wait3A_48 = tpu.memref_slice %arg10[%mul3A_40] : memref<7168xf32, #tpu.memory_space<vmem>> -> memref<200xf32, #tpu.memory_space<vmem>>
      %dma_wait3A_49 = tpu.memref_slice %arg2[%mul3A_38] : memref<204800xf32, #tpu.memory_space<hbm>> -> memref<200xf32, #tpu.memory_space<hbm>>
      %dma_wait3A_50 = tpu.memref_slice %arg10[%mul3A_40] : memref<7168xf32, #tpu.memory_space<vmem>> -> memref<200xf32, #tpu.memory_space<vmem>>
      %dma_wait3A_51 = tpu.memref_slice %arg2[%mul3A_38] : memref<204800xf32, #tpu.memory_space<hbm>> -> memref<200xf32, #tpu.memory_space<hbm>>
      tpu.wait_dma2 semaphore(%arg13 : memref<!tpu.dma_semaphore, #tpu.memory_space<semaphore_mem>>) src(%dma_wait3A_51 : memref<200xf32, #tpu.memory_space<hbm>>) dst(%dma_wait3A_50 : memref<200xf32, #tpu.memory_space<vmem>>)
    }
    %scan3A_22 = arith.constant 32 : i32
    %scan3A_23 = arith.constant 0 : i32
    %scan3A_24 = arith.constant 32 : i32
    %scan3A_25 = arith.addi %scan3A_23, %scan3A_24 : i32
    %scan3A_26 = arith.constant 1 : i32
    scf.for %scan3A_33 = %scan3A_23 to %scan3A_25 step %scan3A_26  : i32 {
      %mul3A_34 = arith.constant 32 : i32
      %mul3A_35 = arith.muli %add3A, %mul3A_34 : i32
      %add3A_36 = arith.addi %mul3A_35, %scan3A_33 : i32
      %mul3A_37 = arith.constant 224 : i32
      %mul3A_38 = arith.muli %scan3A_33, %mul3A_37 : i32
      %add3A_39 = arith.constant 0 : i32
      %add3A_40 = arith.addi %mul3A_38, %add3A_39 : i32
      %get3A = arith.index_cast %add3A_40 : i32 to index
      %get3A_41 = tpu.vector_load %arg8[%get3A] {strides = array<i32>} : memref<7168xi32, #tpu.memory_space<vmem>>, vector<16xi32>,
      %mul3A_42 = arith.constant 64 : i32
      %mul3A_43 = vector.broadcast %mul3A_42 : i32 to vector<16xi32>
      %mul3A_44 = arith.muli %get3A_41, %mul3A_43 : vector<16xi32>
      %get3A_45 = arith.index_cast %add3A_40 : i32 to index
      %get3A_46 = tpu.vector_load %arg9[%get3A_45] {strides = array<i32>} : memref<7168xi32, #tpu.memory_space<vmem>>, vector<16xi32>,
      %add3A_47 = arith.addi %mul3A_44, %get3A_46 : vector<16xi32>
      %get3A_48 = arith.index_cast %add3A_40 : i32 to index
      %get3A_49 = tpu.vector_load %arg10[%get3A_48] {strides = array<i32>} : memref<7168xf32, #tpu.memory_space<vmem>>, vector<16xf32>,
      tpu.vector_store_idx %arg7[%add3A_47], %get3A_49 {add = true} : memref<64000xf32, #tpu.memory_space<vmem>>[vector<16xi32>], vector<16xf32>,
      %add3A_50 = arith.constant 16 : i32
      %add3A_51 = arith.addi %mul3A_38, %add3A_50 : i32
      %get3A_52 = arith.index_cast %add3A_51 : i32 to index
      %get3A_53 = tpu.vector_load %arg8[%get3A_52] {strides = array<i32>} : memref<7168xi32, #tpu.memory_space<vmem>>, vector<16xi32>,
      %mul3A_54 = arith.constant 64 : i32
      %mul3A_55 = vector.broadcast %mul3A_54 : i32 to vector<16xi32>
      %mul3A_56 = arith.muli %get3A_53, %mul3A_55 : vector<16xi32>
      %get3A_57 = arith.index_cast %add3A_51 : i32 to index
      %get3A_58 = tpu.vector_load %arg9[%get3A_57] {strides = array<i32>} : memref<7168xi32, #tpu.memory_space<vmem>>, vector<16xi32>,
      %add3A_59 = arith.addi %mul3A_56, %get3A_58 : vector<16xi32>
      %get3A_60 = arith.index_cast %add3A_51 : i32 to index
      %get3A_61 = tpu.vector_load %arg10[%get3A_60] {strides = array<i32>} : memref<7168xf32, #tpu.memory_space<vmem>>, vector<16xf32>,
      tpu.vector_store_idx %arg7[%add3A_59], %get3A_61 {add = true} : memref<64000xf32, #tpu.memory_space<vmem>>[vector<16xi32>], vector<16xf32>,
      %add3A_62 = arith.constant 32 : i32
      %add3A_63 = arith.addi %mul3A_38, %add3A_62 : i32
      %get3A_64 = arith.index_cast %add3A_63 : i32 to index
      %get3A_65 = tpu.vector_load %arg8[%get3A_64] {strides = array<i32>} : memref<7168xi32, #tpu.memory_space<vmem>>, vector<16xi32>,
      %mul3A_66 = arith.constant 64 : i32
      %mul3A_67 = vector.broadcast %mul3A_66 : i32 to vector<16xi32>
      %mul3A_68 = arith.muli %get3A_65, %mul3A_67 : vector<16xi32>
      %get3A_69 = arith.index_cast %add3A_63 : i32 to index
      %get3A_70 = tpu.vector_load %arg9[%get3A_69] {strides = array<i32>} : memref<7168xi32, #tpu.memory_space<vmem>>, vector<16xi32>,
      %add3A_71 = arith.addi %mul3A_68, %get3A_70 : vector<16xi32>
      %get3A_72 = arith.index_cast %add3A_63 : i32 to index
      %get3A_73 = tpu.vector_load %arg10[%get3A_72] {strides = array<i32>} : memref<7168xf32, #tpu.memory_space<vmem>>, vector<16xf32>,
      tpu.vector_store_idx %arg7[%add3A_71], %get3A_73 {add = true} : memref<64000xf32, #tpu.memory_space<vmem>>[vector<16xi32>], vector<16xf32>,
      %add3A_74 = arith.constant 48 : i32
      %add3A_75 = arith.addi %mul3A_38, %add3A_74 : i32
      %get3A_76 = arith.index_cast %add3A_75 : i32 to index
      %get3A_77 = tpu.vector_load %arg8[%get3A_76] {strides = array<i32>} : memref<7168xi32, #tpu.memory_space<vmem>>, vector<16xi32>,
      %mul3A_78 = arith.constant 64 : i32
      %mul3A_79 = vector.broadcast %mul3A_78 : i32 to vector<16xi32>
      %mul3A_80 = arith.muli %get3A_77, %mul3A_79 : vector<16xi32>
      %get3A_81 = arith.index_cast %add3A_75 : i32 to index
      %get3A_82 = tpu.vector_load %arg9[%get3A_81] {strides = array<i32>} : memref<7168xi32, #tpu.memory_space<vmem>>, vector<16xi32>,
      %add3A_83 = arith.addi %mul3A_80, %get3A_82 : vector<16xi32>
      %get3A_84 = arith.index_cast %add3A_75 : i32 to index
      %get3A_85 = tpu.vector_load %arg10[%get3A_84] {strides = array<i32>} : memref<7168xf32, #tpu.memory_space<vmem>>, vector<16xf32>,
      tpu.vector_store_idx %arg7[%add3A_83], %get3A_85 {add = true} : memref<64000xf32, #tpu.memory_space<vmem>>[vector<16xi32>], vector<16xf32>,
      %add3A_86 = arith.constant 64 : i32
      %add3A_87 = arith.addi %mul3A_38, %add3A_86 : i32
      %get3A_88 = arith.index_cast %add3A_87 : i32 to index
      %get3A_89 = tpu.vector_load %arg8[%get3A_88] {strides = array<i32>} : memref<7168xi32, #tpu.memory_space<vmem>>, vector<16xi32>,
      %mul3A_90 = arith.constant 64 : i32
      %mul3A_91 = vector.broadcast %mul3A_90 : i32 to vector<16xi32>
      %mul3A_92 = arith.muli %get3A_89, %mul3A_91 : vector<16xi32>
      %get3A_93 = arith.index_cast %add3A_87 : i32 to index
      %get3A_94 = tpu.vector_load %arg9[%get3A_93] {strides = array<i32>} : memref<7168xi32, #tpu.memory_space<vmem>>, vector<16xi32>,
      %add3A_95 = arith.addi %mul3A_92, %get3A_94 : vector<16xi32>
      %get3A_96 = arith.index_cast %add3A_87 : i32 to index
      %get3A_97 = tpu.vector_load %arg10[%get3A_96] {strides = array<i32>} : memref<7168xf32, #tpu.memory_space<vmem>>, vector<16xf32>,
      tpu.vector_store_idx %arg7[%add3A_95], %get3A_97 {add = true} : memref<64000xf32, #tpu.memory_space<vmem>>[vector<16xi32>], vector<16xf32>,
      %add3A_98 = arith.constant 80 : i32
      %add3A_99 = arith.addi %mul3A_38, %add3A_98 : i32
      %get3A_100 = arith.index_cast %add3A_99 : i32 to index
      %get3A_101 = tpu.vector_load %arg8[%get3A_100] {strides = array<i32>} : memref<7168xi32, #tpu.memory_space<vmem>>, vector<16xi32>,
      %mul3A_102 = arith.constant 64 : i32
      %mul3A_103 = vector.broadcast %mul3A_102 : i32 to vector<16xi32>
      %mul3A_104 = arith.muli %get3A_101, %mul3A_103 : vector<16xi32>
      %get3A_105 = arith.index_cast %add3A_99 : i32 to index
      %get3A_106 = tpu.vector_load %arg9[%get3A_105] {strides = array<i32>} : memref<7168xi32, #tpu.memory_space<vmem>>, vector<16xi32>,
      %add3A_107 = arith.addi %mul3A_104, %get3A_106 : vector<16xi32>
      %get3A_108 = arith.index_cast %add3A_99 : i32 to index
      %get3A_109 = tpu.vector_load %arg10[%get3A_108] {strides = array<i32>} : memref<7168xf32, #tpu.memory_space<vmem>>, vector<16xf32>,
      tpu.vector_store_idx %arg7[%add3A_107], %get3A_109 {add = true} : memref<64000xf32, #tpu.memory_space<vmem>>[vector<16xi32>], vector<16xf32>,
      %add3A_110 = arith.constant 96 : i32
      %add3A_111 = arith.addi %mul3A_38, %add3A_110 : i32
      %get3A_112 = arith.index_cast %add3A_111 : i32 to index
      %get3A_113 = tpu.vector_load %arg8[%get3A_112] {strides = array<i32>} : memref<7168xi32, #tpu.memory_space<vmem>>, vector<16xi32>,
      %mul3A_114 = arith.constant 64 : i32
      %mul3A_115 = vector.broadcast %mul3A_114 : i32 to vector<16xi32>
      %mul3A_116 = arith.muli %get3A_113, %mul3A_115 : vector<16xi32>
      %get3A_117 = arith.index_cast %add3A_111 : i32 to index
      %get3A_118 = tpu.vector_load %arg9[%get3A_117] {strides = array<i32>} : memref<7168xi32, #tpu.memory_space<vmem>>, vector<16xi32>,
      %add3A_119 = arith.addi %mul3A_116, %get3A_118 : vector<16xi32>
      %get3A_120 = arith.index_cast %add3A_111 : i32 to index
      %get3A_121 = tpu.vector_load %arg10[%get3A_120] {strides = array<i32>} : memref<7168xf32, #tpu.memory_space<vmem>>, vector<16xf32>,
      tpu.vector_store_idx %arg7[%add3A_119], %get3A_121 {add = true} : memref<64000xf32, #tpu.memory_space<vmem>>[vector<16xi32>], vector<16xf32>,
      %add3A_122 = arith.constant 112 : i32
      %add3A_123 = arith.addi %mul3A_38, %add3A_122 : i32
      %get3A_124 = arith.index_cast %add3A_123 : i32 to index
      %get3A_125 = tpu.vector_load %arg8[%get3A_124] {strides = array<i32>} : memref<7168xi32, #tpu.memory_space<vmem>>, vector<16xi32>,
      %mul3A_126 = arith.constant 64 : i32
      %mul3A_127 = vector.broadcast %mul3A_126 : i32 to vector<16xi32>
      %mul3A_128 = arith.muli %get3A_125, %mul3A_127 : vector<16xi32>
      %get3A_129 = arith.index_cast %add3A_123 : i32 to index
      %get3A_130 = tpu.vector_load %arg9[%get3A_129] {strides = array<i32>} : memref<7168xi32, #tpu.memory_space<vmem>>, vector<16xi32>,
      %add3A_131 = arith.addi %mul3A_128, %get3A_130 : vector<16xi32>
      %get3A_132 = arith.index_cast %add3A_123 : i32 to index
      %get3A_133 = tpu.vector_load %arg10[%get3A_132] {strides = array<i32>} : memref<7168xf32, #tpu.memory_space<vmem>>, vector<16xf32>,
      tpu.vector_store_idx %arg7[%add3A_131], %get3A_133 {add = true} : memref<64000xf32, #tpu.memory_space<vmem>>[vector<16xi32>], vector<16xf32>,
      %add3A_134 = arith.constant 128 : i32
      %add3A_135 = arith.addi %mul3A_38, %add3A_134 : i32
      %get3A_136 = arith.index_cast %add3A_135 : i32 to index
      %get3A_137 = tpu.vector_load %arg8[%get3A_136] {strides = array<i32>} : memref<7168xi32, #tpu.memory_space<vmem>>, vector<16xi32>,
      %mul3A_138 = arith.constant 64 : i32
      %mul3A_139 = vector.broadcast %mul3A_138 : i32 to vector<16xi32>
      %mul3A_140 = arith.muli %get3A_137, %mul3A_139 : vector<16xi32>
      %get3A_141 = arith.index_cast %add3A_135 : i32 to index
      %get3A_142 = tpu.vector_load %arg9[%get3A_141] {strides = array<i32>} : memref<7168xi32, #tpu.memory_space<vmem>>, vector<16xi32>,
      %add3A_143 = arith.addi %mul3A_140, %get3A_142 : vector<16xi32>
      %get3A_144 = arith.index_cast %add3A_135 : i32 to index
      %get3A_145 = tpu.vector_load %arg10[%get3A_144] {strides = array<i32>} : memref<7168xf32, #tpu.memory_space<vmem>>, vector<16xf32>,
      tpu.vector_store_idx %arg7[%add3A_143], %get3A_145 {add = true} : memref<64000xf32, #tpu.memory_space<vmem>>[vector<16xi32>], vector<16xf32>,
      %add3A_146 = arith.constant 144 : i32
      %add3A_147 = arith.addi %mul3A_38, %add3A_146 : i32
      %get3A_148 = arith.index_cast %add3A_147 : i32 to index
      %get3A_149 = tpu.vector_load %arg8[%get3A_148] {strides = array<i32>} : memref<7168xi32, #tpu.memory_space<vmem>>, vector<16xi32>,
      %mul3A_150 = arith.constant 64 : i32
      %mul3A_151 = vector.broadcast %mul3A_150 : i32 to vector<16xi32>
      %mul3A_152 = arith.muli %get3A_149, %mul3A_151 : vector<16xi32>
      %get3A_153 = arith.index_cast %add3A_147 : i32 to index
      %get3A_154 = tpu.vector_load %arg9[%get3A_153] {strides = array<i32>} : memref<7168xi32, #tpu.memory_space<vmem>>, vector<16xi32>,
      %add3A_155 = arith.addi %mul3A_152, %get3A_154 : vector<16xi32>
      %get3A_156 = arith.index_cast %add3A_147 : i32 to index
      %get3A_157 = tpu.vector_load %arg10[%get3A_156] {strides = array<i32>} : memref<7168xf32, #tpu.memory_space<vmem>>, vector<16xf32>,
      tpu.vector_store_idx %arg7[%add3A_155], %get3A_157 {add = true} : memref<64000xf32, #tpu.memory_space<vmem>>[vector<16xi32>], vector<16xf32>,
      %add3A_158 = arith.constant 160 : i32
      %add3A_159 = arith.addi %mul3A_38, %add3A_158 : i32
      %get3A_160 = arith.index_cast %add3A_159 : i32 to index
      %get3A_161 = tpu.vector_load %arg8[%get3A_160] {strides = array<i32>} : memref<7168xi32, #tpu.memory_space<vmem>>, vector<16xi32>,
      %mul3A_162 = arith.constant 64 : i32
      %mul3A_163 = vector.broadcast %mul3A_162 : i32 to vector<16xi32>
      %mul3A_164 = arith.muli %get3A_161, %mul3A_163 : vector<16xi32>
      %get3A_165 = arith.index_cast %add3A_159 : i32 to index
      %get3A_166 = tpu.vector_load %arg9[%get3A_165] {strides = array<i32>} : memref<7168xi32, #tpu.memory_space<vmem>>, vector<16xi32>,
      %add3A_167 = arith.addi %mul3A_164, %get3A_166 : vector<16xi32>
      %get3A_168 = arith.index_cast %add3A_159 : i32 to index
      %get3A_169 = tpu.vector_load %arg10[%get3A_168] {strides = array<i32>} : memref<7168xf32, #tpu.memory_space<vmem>>, vector<16xf32>,
      tpu.vector_store_idx %arg7[%add3A_167], %get3A_169 {add = true} : memref<64000xf32, #tpu.memory_space<vmem>>[vector<16xi32>], vector<16xf32>,
      %add3A_170 = arith.constant 176 : i32
      %add3A_171 = arith.addi %mul3A_38, %add3A_170 : i32
      %get3A_172 = arith.index_cast %add3A_171 : i32 to index
      %get3A_173 = tpu.vector_load %arg8[%get3A_172] {strides = array<i32>} : memref<7168xi32, #tpu.memory_space<vmem>>, vector<16xi32>,
      %mul3A_174 = arith.constant 64 : i32
      %mul3A_175 = vector.broadcast %mul3A_174 : i32 to vector<16xi32>
      %mul3A_176 = arith.muli %get3A_173, %mul3A_175 : vector<16xi32>
      %get3A_177 = arith.index_cast %add3A_171 : i32 to index
      %get3A_178 = tpu.vector_load %arg9[%get3A_177] {strides = array<i32>} : memref<7168xi32, #tpu.memory_space<vmem>>, vector<16xi32>,
      %add3A_179 = arith.addi %mul3A_176, %get3A_178 : vector<16xi32>
      %get3A_180 = arith.index_cast %add3A_171 : i32 to index
      %get3A_181 = tpu.vector_load %arg10[%get3A_180] {strides = array<i32>} : memref<7168xf32, #tpu.memory_space<vmem>>, vector<16xf32>,
      tpu.vector_store_idx %arg7[%add3A_179], %get3A_181 {add = true} : memref<64000xf32, #tpu.memory_space<vmem>>[vector<16xi32>], vector<16xf32>,
      %add3A_182 = arith.constant 192 : i32
      %add3A_183 = arith.addi %mul3A_38, %add3A_182 : i32
      %get3A_184 = arith.index_cast %add3A_183 : i32 to index
      %get3A_185 = tpu.vector_load %arg8[%get3A_184] {strides = array<i32>} : memref<7168xi32, #tpu.memory_space<vmem>>, vector<16xi32>,
      %mul3A_186 = arith.constant 64 : i32
      %mul3A_187 = vector.broadcast %mul3A_186 : i32 to vector<16xi32>
      %mul3A_188 = arith.muli %get3A_185, %mul3A_187 : vector<16xi32>
      %get3A_189 = arith.index_cast %add3A_183 : i32 to index
      %get3A_190 = tpu.vector_load %arg9[%get3A_189] {strides = array<i32>} : memref<7168xi32, #tpu.memory_space<vmem>>, vector<16xi32>,
      %add3A_191 = arith.addi %mul3A_188, %get3A_190 : vector<16xi32>
      %get3A_192 = arith.index_cast %add3A_183 : i32 to index
      %get3A_193 = tpu.vector_load %arg10[%get3A_192] {strides = array<i32>} : memref<7168xf32, #tpu.memory_space<vmem>>, vector<16xf32>,
      tpu.vector_store_idx %arg7[%add3A_191], %get3A_193 {add = true} : memref<64000xf32, #tpu.memory_space<vmem>>[vector<16xi32>], vector<16xf32>,
      %add3A_194 = arith.constant 208 : i32
      %add3A_195 = arith.addi %mul3A_38, %add3A_194 : i32
      %get3A_196 = arith.index_cast %add3A_195 : i32 to index
      %get3A_197 = tpu.vector_load %arg8[%get3A_196] {strides = array<i32>} : memref<7168xi32, #tpu.memory_space<vmem>>, vector<16xi32>,
      %mul3A_198 = arith.constant 64 : i32
      %mul3A_199 = vector.broadcast %mul3A_198 : i32 to vector<16xi32>
      %mul3A_200 = arith.muli %get3A_197, %mul3A_199 : vector<16xi32>
      %get3A_201 = arith.index_cast %add3A_195 : i32 to index
      %get3A_202 = tpu.vector_load %arg9[%get3A_201] {strides = array<i32>} : memref<7168xi32, #tpu.memory_space<vmem>>, vector<16xi32>,
      %add3A_203 = arith.addi %mul3A_200, %get3A_202 : vector<16xi32>
      %get3A_204 = arith.index_cast %add3A_195 : i32 to index
      %get3A_205 = tpu.vector_load %arg10[%get3A_204] {strides = array<i32>} : memref<7168xf32, #tpu.memory_space<vmem>>, vector<16xf32>,
      tpu.vector_store_idx %arg7[%add3A_203], %get3A_205 {add = true} : memref<64000xf32, #tpu.memory_space<vmem>>[vector<16xi32>], vector<16xf32>,
      %shift_right_arithmetic3A = arith.constant 7 : i32
      %shift_right_arithmetic3A_206 = arith.shrsi %add3A_36, %shift_right_arithmetic3A : i32
      %shift_left3A = arith.constant 10 : i32
      %shift_left3A_207 = arith.shli %shift_right_arithmetic3A_206, %shift_left3A : i32
      %and3A = arith.constant 127 : i32
      %and3A_208 = arith.andi %add3A_36, %and3A : i32
      %add3A_209 = arith.addi %shift_left3A_207, %and3A_208 : i32
      %add3A_210 = arith.constant 0 : i32
      %add3A_211 = arith.addi %mul3A_38, %add3A_210 : i32
      %get3A_212 = arith.index_cast %add3A_211 : i32 to index
      %get3A_213 = tpu.vector_load %arg8[%get3A_212] {strides = array<i32>} : memref<7168xi32, #tpu.memory_space<vmem>>, vector<16xi32>,
      %get3A_214 = arith.index_cast %add3A_211 : i32 to index
      %get3A_215 = tpu.vector_load %arg9[%get3A_214] {strides = array<i32>} : memref<7168xi32, #tpu.memory_space<vmem>>, vector<16xi32>,
      %mul3A_216 = arith.constant 64 : i32
      %mul3A_217 = vector.broadcast %mul3A_216 : i32 to vector<16xi32>
      %mul3A_218 = arith.muli %get3A_213, %mul3A_217 : vector<16xi32>
      %add3A_219 = arith.addi %mul3A_218, %get3A_215 : vector<16xi32>
      %gather3A = tpu.vector_load_idx %arg7[%add3A_219] : memref<64000xf32, #tpu.memory_space<vmem>>[vector<16xi32>], vector<16xf32>,
      %mul3A_220 = arith.constant 65536 : i32
      %mul3A_221 = vector.broadcast %mul3A_220 : i32 to vector<16xi32>
      %mul3A_222 = arith.muli %get3A_213, %mul3A_221 : vector<16xi32>
      %shift_right_arithmetic3A_223 = arith.constant 3 : i32
      %shift_right_arithmetic3A_224 = vector.broadcast %shift_right_arithmetic3A_223 : i32 to vector<16xi32>
      %shift_right_arithmetic3A_225 = arith.shrsi %get3A_215, %shift_right_arithmetic3A_224 : vector<16xi32>
      %shift_left3A_226 = arith.constant 13 : i32
      %shift_left3A_227 = vector.broadcast %shift_left3A_226 : i32 to vector<16xi32>
      %shift_left3A_228 = arith.shli %shift_right_arithmetic3A_225, %shift_left3A_227 : vector<16xi32>
      %add3A_229 = arith.addi %mul3A_222, %shift_left3A_228 : vector<16xi32>
      %and3A_230 = arith.constant 7 : i32
      %and3A_231 = vector.broadcast %and3A_230 : i32 to vector<16xi32>
      %and3A_232 = arith.andi %get3A_215, %and3A_231 : vector<16xi32>
      %shift_left3A_233 = arith.constant 7 : i32
      %shift_left3A_234 = vector.broadcast %shift_left3A_233 : i32 to vector<16xi32>
      %shift_left3A_235 = arith.shli %and3A_232, %shift_left3A_234 : vector<16xi32>
      %add3A_236 = arith.addi %add3A_229, %shift_left3A_235 : vector<16xi32>
      %add3A_237 = vector.broadcast %add3A_209 : i32 to vector<16xi32>
      %add3A_238 = arith.addi %add3A_236, %add3A_237 : vector<16xi32>
      %mul3A_239 = arith.constant 2 : i32
      %mul3A_240 = arith.muli %mul3A_239, %scan3A_33 : i32
      %add3A_241 = arith.constant 0 : i32
      %add3A_242 = arith.addi %mul3A_240, %add3A_241 : i32
      %swap3A = arith.index_cast %add3A_242 : i32 to index
      %swap3A_243 = arith.constant 0 : index
      %swap3A_244 = tpu.vector_load %arg11[%swap3A, %swap3A_243] {strides = array<i32>} : memref<64x112xi32, #tpu.memory_space<vmem>>, vector<16xi32>,
      tpu.vector_store %arg11[%swap3A, %swap3A_243], %add3A_238 {strides = array<i32>} : memref<64x112xi32, #tpu.memory_space<vmem>>, vector<16xi32>,
      %swap3A_245 = arith.index_cast %add3A_242 : i32 to index
      %swap3A_246 = arith.constant 0 : index
      %swap3A_247 = tpu.vector_load %arg12[%swap3A_245, %swap3A_246] {strides = array<i32>} : memref<64x112xf32, #tpu.memory_space<vmem>>, vector<16xf32>,
      tpu.vector_store %arg12[%swap3A_245, %swap3A_246], %gather3A {strides = array<i32>} : memref<64x112xf32, #tpu.memory_space<vmem>>, vector<16xf32>,
      %add3A_248 = arith.constant 16 : i32
      %add3A_249 = arith.addi %mul3A_38, %add3A_248 : i32
      %get3A_250 = arith.index_cast %add3A_249 : i32 to index
      %get3A_251 = tpu.vector_load %arg8[%get3A_250] {strides = array<i32>} : memref<7168xi32, #tpu.memory_space<vmem>>, vector<16xi32>,
      %get3A_252 = arith.index_cast %add3A_249 : i32 to index
      %get3A_253 = tpu.vector_load %arg9[%get3A_252] {strides = array<i32>} : memref<7168xi32, #tpu.memory_space<vmem>>, vector<16xi32>,
      %mul3A_254 = arith.constant 64 : i32
      %mul3A_255 = vector.broadcast %mul3A_254 : i32 to vector<16xi32>
      %mul3A_256 = arith.muli %get3A_251, %mul3A_255 : vector<16xi32>
      %add3A_257 = arith.addi %mul3A_256, %get3A_253 : vector<16xi32>
      %gather3A_258 = tpu.vector_load_idx %arg7[%add3A_257] : memref<64000xf32, #tpu.memory_space<vmem>>[vector<16xi32>], vector<16xf32>,
      %mul3A_259 = arith.constant 65536 : i32
      %mul3A_260 = vector.broadcast %mul3A_259 : i32 to vector<16xi32>
      %mul3A_261 = arith.muli %get3A_251, %mul3A_260 : vector<16xi32>
      %shift_right_arithmetic3A_262 = arith.constant 3 : i32
      %shift_right_arithmetic3A_263 = vector.broadcast %shift_right_arithmetic3A_262 : i32 to vector<16xi32>
      %shift_right_arithmetic3A_264 = arith.shrsi %get3A_253, %shift_right_arithmetic3A_263 : vector<16xi32>
      %shift_left3A_265 = arith.constant 13 : i32
      %shift_left3A_266 = vector.broadcast %shift_left3A_265 : i32 to vector<16xi32>
      %shift_left3A_267 = arith.shli %shift_right_arithmetic3A_264, %shift_left3A_266 : vector<16xi32>
      %add3A_268 = arith.addi %mul3A_261, %shift_left3A_267 : vector<16xi32>
      %and3A_269 = arith.constant 7 : i32
      %and3A_270 = vector.broadcast %and3A_269 : i32 to vector<16xi32>
      %and3A_271 = arith.andi %get3A_253, %and3A_270 : vector<16xi32>
      %shift_left3A_272 = arith.constant 7 : i32
      %shift_left3A_273 = vector.broadcast %shift_left3A_272 : i32 to vector<16xi32>
      %shift_left3A_274 = arith.shli %and3A_271, %shift_left3A_273 : vector<16xi32>
      %add3A_275 = arith.addi %add3A_268, %shift_left3A_274 : vector<16xi32>
      %add3A_276 = vector.broadcast %add3A_209 : i32 to vector<16xi32>
      %add3A_277 = arith.addi %add3A_275, %add3A_276 : vector<16xi32>
      %mul3A_278 = arith.constant 2 : i32
      %mul3A_279 = arith.muli %mul3A_278, %scan3A_33 : i32
      %add3A_280 = arith.constant 0 : i32
      %add3A_281 = arith.addi %mul3A_279, %add3A_280 : i32
      %swap3A_282 = arith.index_cast %add3A_281 : i32 to index
      %swap3A_283 = arith.constant 16 : index
      %swap3A_284 = tpu.vector_load %arg11[%swap3A_282, %swap3A_283] {strides = array<i32>} : memref<64x112xi32, #tpu.memory_space<vmem>>, vector<16xi32>,
      tpu.vector_store %arg11[%swap3A_282, %swap3A_283], %add3A_277 {strides = array<i32>} : memref<64x112xi32, #tpu.memory_space<vmem>>, vector<16xi32>,
      %swap3A_285 = arith.index_cast %add3A_281 : i32 to index
      %swap3A_286 = arith.constant 16 : index
      %swap3A_287 = tpu.vector_load %arg12[%swap3A_285, %swap3A_286] {strides = array<i32>} : memref<64x112xf32, #tpu.memory_space<vmem>>, vector<16xf32>,
      tpu.vector_store %arg12[%swap3A_285, %swap3A_286], %gather3A_258 {strides = array<i32>} : memref<64x112xf32, #tpu.memory_space<vmem>>, vector<16xf32>,
      %add3A_288 = arith.constant 32 : i32
      %add3A_289 = arith.addi %mul3A_38, %add3A_288 : i32
      %get3A_290 = arith.index_cast %add3A_289 : i32 to index
      %get3A_291 = tpu.vector_load %arg8[%get3A_290] {strides = array<i32>} : memref<7168xi32, #tpu.memory_space<vmem>>, vector<16xi32>,
      %get3A_292 = arith.index_cast %add3A_289 : i32 to index
      %get3A_293 = tpu.vector_load %arg9[%get3A_292] {strides = array<i32>} : memref<7168xi32, #tpu.memory_space<vmem>>, vector<16xi32>,
      %mul3A_294 = arith.constant 64 : i32
      %mul3A_295 = vector.broadcast %mul3A_294 : i32 to vector<16xi32>
      %mul3A_296 = arith.muli %get3A_291, %mul3A_295 : vector<16xi32>
      %add3A_297 = arith.addi %mul3A_296, %get3A_293 : vector<16xi32>
      %gather3A_298 = tpu.vector_load_idx %arg7[%add3A_297] : memref<64000xf32, #tpu.memory_space<vmem>>[vector<16xi32>], vector<16xf32>,
      %mul3A_299 = arith.constant 65536 : i32
      %mul3A_300 = vector.broadcast %mul3A_299 : i32 to vector<16xi32>
      %mul3A_301 = arith.muli %get3A_291, %mul3A_300 : vector<16xi32>
      %shift_right_arithmetic3A_302 = arith.constant 3 : i32
      %shift_right_arithmetic3A_303 = vector.broadcast %shift_right_arithmetic3A_302 : i32 to vector<16xi32>
      %shift_right_arithmetic3A_304 = arith.shrsi %get3A_293, %shift_right_arithmetic3A_303 : vector<16xi32>
      %shift_left3A_305 = arith.constant 13 : i32
      %shift_left3A_306 = vector.broadcast %shift_left3A_305 : i32 to vector<16xi32>
      %shift_left3A_307 = arith.shli %shift_right_arithmetic3A_304, %shift_left3A_306 : vector<16xi32>
      %add3A_308 = arith.addi %mul3A_301, %shift_left3A_307 : vector<16xi32>
      %and3A_309 = arith.constant 7 : i32
      %and3A_310 = vector.broadcast %and3A_309 : i32 to vector<16xi32>
      %and3A_311 = arith.andi %get3A_293, %and3A_310 : vector<16xi32>
      %shift_left3A_312 = arith.constant 7 : i32
      %shift_left3A_313 = vector.broadcast %shift_left3A_312 : i32 to vector<16xi32>
      %shift_left3A_314 = arith.shli %and3A_311, %shift_left3A_313 : vector<16xi32>
      %add3A_315 = arith.addi %add3A_308, %shift_left3A_314 : vector<16xi32>
      %add3A_316 = vector.broadcast %add3A_209 : i32 to vector<16xi32>
      %add3A_317 = arith.addi %add3A_315, %add3A_316 : vector<16xi32>
      %mul3A_318 = arith.constant 2 : i32
      %mul3A_319 = arith.muli %mul3A_318, %scan3A_33 : i32
      %add3A_320 = arith.constant 0 : i32
      %add3A_321 = arith.addi %mul3A_319, %add3A_320 : i32
      %swap3A_322 = arith.index_cast %add3A_321 : i32 to index
      %swap3A_323 = arith.constant 32 : index
      %swap3A_324 = tpu.vector_load %arg11[%swap3A_322, %swap3A_323] {strides = array<i32>} : memref<64x112xi32, #tpu.memory_space<vmem>>, vector<16xi32>,
      tpu.vector_store %arg11[%swap3A_322, %swap3A_323], %add3A_317 {strides = array<i32>} : memref<64x112xi32, #tpu.memory_space<vmem>>, vector<16xi32>,
      %swap3A_325 = arith.index_cast %add3A_321 : i32 to index
      %swap3A_326 = arith.constant 32 : index
      %swap3A_327 = tpu.vector_load %arg12[%swap3A_325, %swap3A_326] {strides = array<i32>} : memref<64x112xf32, #tpu.memory_space<vmem>>, vector<16xf32>,
      tpu.vector_store %arg12[%swap3A_325, %swap3A_326], %gather3A_298 {strides = array<i32>} : memref<64x112xf32, #tpu.memory_space<vmem>>, vector<16xf32>,
      %add3A_328 = arith.constant 48 : i32
      %add3A_329 = arith.addi %mul3A_38, %add3A_328 : i32
      %get3A_330 = arith.index_cast %add3A_329 : i32 to index
      %get3A_331 = tpu.vector_load %arg8[%get3A_330] {strides = array<i32>} : memref<7168xi32, #tpu.memory_space<vmem>>, vector<16xi32>,
      %get3A_332 = arith.index_cast %add3A_329 : i32 to index
      %get3A_333 = tpu.vector_load %arg9[%get3A_332] {strides = array<i32>} : memref<7168xi32, #tpu.memory_space<vmem>>, vector<16xi32>,
      %mul3A_334 = arith.constant 64 : i32
      %mul3A_335 = vector.broadcast %mul3A_334 : i32 to vector<16xi32>
      %mul3A_336 = arith.muli %get3A_331, %mul3A_335 : vector<16xi32>
      %add3A_337 = arith.addi %mul3A_336, %get3A_333 : vector<16xi32>
      %gather3A_338 = tpu.vector_load_idx %arg7[%add3A_337] : memref<64000xf32, #tpu.memory_space<vmem>>[vector<16xi32>], vector<16xf32>,
      %mul3A_339 = arith.constant 65536 : i32
      %mul3A_340 = vector.broadcast %mul3A_339 : i32 to vector<16xi32>
      %mul3A_341 = arith.muli %get3A_331, %mul3A_340 : vector<16xi32>
      %shift_right_arithmetic3A_342 = arith.constant 3 : i32
      %shift_right_arithmetic3A_343 = vector.broadcast %shift_right_arithmetic3A_342 : i32 to vector<16xi32>
      %shift_right_arithmetic3A_344 = arith.shrsi %get3A_333, %shift_right_arithmetic3A_343 : vector<16xi32>
      %shift_left3A_345 = arith.constant 13 : i32
      %shift_left3A_346 = vector.broadcast %shift_left3A_345 : i32 to vector<16xi32>
      %shift_left3A_347 = arith.shli %shift_right_arithmetic3A_344, %shift_left3A_346 : vector<16xi32>
      %add3A_348 = arith.addi %mul3A_341, %shift_left3A_347 : vector<16xi32>
      %and3A_349 = arith.constant 7 : i32
      %and3A_350 = vector.broadcast %and3A_349 : i32 to vector<16xi32>
      %and3A_351 = arith.andi %get3A_333, %and3A_350 : vector<16xi32>
      %shift_left3A_352 = arith.constant 7 : i32
      %shift_left3A_353 = vector.broadcast %shift_left3A_352 : i32 to vector<16xi32>
      %shift_left3A_354 = arith.shli %and3A_351, %shift_left3A_353 : vector<16xi32>
      %add3A_355 = arith.addi %add3A_348, %shift_left3A_354 : vector<16xi32>
      %add3A_356 = vector.broadcast %add3A_209 : i32 to vector<16xi32>
      %add3A_357 = arith.addi %add3A_355, %add3A_356 : vector<16xi32>
      %mul3A_358 = arith.constant 2 : i32
      %mul3A_359 = arith.muli %mul3A_358, %scan3A_33 : i32
      %add3A_360 = arith.constant 0 : i32
      %add3A_361 = arith.addi %mul3A_359, %add3A_360 : i32
      %swap3A_362 = arith.index_cast %add3A_361 : i32 to index
      %swap3A_363 = arith.constant 48 : index
      %swap3A_364 = tpu.vector_load %arg11[%swap3A_362, %swap3A_363] {strides = array<i32>} : memref<64x112xi32, #tpu.memory_space<vmem>>, vector<16xi32>,
      tpu.vector_store %arg11[%swap3A_362, %swap3A_363], %add3A_357 {strides = array<i32>} : memref<64x112xi32, #tpu.memory_space<vmem>>, vector<16xi32>,
      %swap3A_365 = arith.index_cast %add3A_361 : i32 to index
      %swap3A_366 = arith.constant 48 : index
      %swap3A_367 = tpu.vector_load %arg12[%swap3A_365, %swap3A_366] {strides = array<i32>} : memref<64x112xf32, #tpu.memory_space<vmem>>, vector<16xf32>,
      tpu.vector_store %arg12[%swap3A_365, %swap3A_366], %gather3A_338 {strides = array<i32>} : memref<64x112xf32, #tpu.memory_space<vmem>>, vector<16xf32>,
      %add3A_368 = arith.constant 64 : i32
      %add3A_369 = arith.addi %mul3A_38, %add3A_368 : i32
      %get3A_370 = arith.index_cast %add3A_369 : i32 to index
      %get3A_371 = tpu.vector_load %arg8[%get3A_370] {strides = array<i32>} : memref<7168xi32, #tpu.memory_space<vmem>>, vector<16xi32>,
      %get3A_372 = arith.index_cast %add3A_369 : i32 to index
      %get3A_373 = tpu.vector_load %arg9[%get3A_372] {strides = array<i32>} : memref<7168xi32, #tpu.memory_space<vmem>>, vector<16xi32>,
      %mul3A_374 = arith.constant 64 : i32
      %mul3A_375 = vector.broadcast %mul3A_374 : i32 to vector<16xi32>
      %mul3A_376 = arith.muli %get3A_371, %mul3A_375 : vector<16xi32>
      %add3A_377 = arith.addi %mul3A_376, %get3A_373 : vector<16xi32>
      %gather3A_378 = tpu.vector_load_idx %arg7[%add3A_377] : memref<64000xf32, #tpu.memory_space<vmem>>[vector<16xi32>], vector<16xf32>,
      %mul3A_379 = arith.constant 65536 : i32
      %mul3A_380 = vector.broadcast %mul3A_379 : i32 to vector<16xi32>
      %mul3A_381 = arith.muli %get3A_371, %mul3A_380 : vector<16xi32>
      %shift_right_arithmetic3A_382 = arith.constant 3 : i32
      %shift_right_arithmetic3A_383 = vector.broadcast %shift_right_arithmetic3A_382 : i32 to vector<16xi32>
      %shift_right_arithmetic3A_384 = arith.shrsi %get3A_373, %shift_right_arithmetic3A_383 : vector<16xi32>
      %shift_left3A_385 = arith.constant 13 : i32
      %shift_left3A_386 = vector.broadcast %shift_left3A_385 : i32 to vector<16xi32>
      %shift_left3A_387 = arith.shli %shift_right_arithmetic3A_384, %shift_left3A_386 : vector<16xi32>
      %add3A_388 = arith.addi %mul3A_381, %shift_left3A_387 : vector<16xi32>
      %and3A_389 = arith.constant 7 : i32
      %and3A_390 = vector.broadcast %and3A_389 : i32 to vector<16xi32>
      %and3A_391 = arith.andi %get3A_373, %and3A_390 : vector<16xi32>
      %shift_left3A_392 = arith.constant 7 : i32
      %shift_left3A_393 = vector.broadcast %shift_left3A_392 : i32 to vector<16xi32>
      %shift_left3A_394 = arith.shli %and3A_391, %shift_left3A_393 : vector<16xi32>
      %add3A_395 = arith.addi %add3A_388, %shift_left3A_394 : vector<16xi32>
      %add3A_396 = vector.broadcast %add3A_209 : i32 to vector<16xi32>
      %add3A_397 = arith.addi %add3A_395, %add3A_396 : vector<16xi32>
      %mul3A_398 = arith.constant 2 : i32
      %mul3A_399 = arith.muli %mul3A_398, %scan3A_33 : i32
      %add3A_400 = arith.constant 0 : i32
      %add3A_401 = arith.addi %mul3A_399, %add3A_400 : i32
      %swap3A_402 = arith.index_cast %add3A_401 : i32 to index
      %swap3A_403 = arith.constant 64 : index
      %swap3A_404 = tpu.vector_load %arg11[%swap3A_402, %swap3A_403] {strides = array<i32>} : memref<64x112xi32, #tpu.memory_space<vmem>>, vector<16xi32>,
      tpu.vector_store %arg11[%swap3A_402, %swap3A_403], %add3A_397 {strides = array<i32>} : memref<64x112xi32, #tpu.memory_space<vmem>>, vector<16xi32>,
      %swap3A_405 = arith.index_cast %add3A_401 : i32 to index
      %swap3A_406 = arith.constant 64 : index
      %swap3A_407 = tpu.vector_load %arg12[%swap3A_405, %swap3A_406] {strides = array<i32>} : memref<64x112xf32, #tpu.memory_space<vmem>>, vector<16xf32>,
      tpu.vector_store %arg12[%swap3A_405, %swap3A_406], %gather3A_378 {strides = array<i32>} : memref<64x112xf32, #tpu.memory_space<vmem>>, vector<16xf32>,
      %add3A_408 = arith.constant 80 : i32
      %add3A_409 = arith.addi %mul3A_38, %add3A_408 : i32
      %get3A_410 = arith.index_cast %add3A_409 : i32 to index
      %get3A_411 = tpu.vector_load %arg8[%get3A_410] {strides = array<i32>} : memref<7168xi32, #tpu.memory_space<vmem>>, vector<16xi32>,
      %get3A_412 = arith.index_cast %add3A_409 : i32 to index
      %get3A_413 = tpu.vector_load %arg9[%get3A_412] {strides = array<i32>} : memref<7168xi32, #tpu.memory_space<vmem>>, vector<16xi32>,
      %mul3A_414 = arith.constant 64 : i32
      %mul3A_415 = vector.broadcast %mul3A_414 : i32 to vector<16xi32>
      %mul3A_416 = arith.muli %get3A_411, %mul3A_415 : vector<16xi32>
      %add3A_417 = arith.addi %mul3A_416, %get3A_413 : vector<16xi32>
      %gather3A_418 = tpu.vector_load_idx %arg7[%add3A_417] : memref<64000xf32, #tpu.memory_space<vmem>>[vector<16xi32>], vector<16xf32>,
      %mul3A_419 = arith.constant 65536 : i32
      %mul3A_420 = vector.broadcast %mul3A_419 : i32 to vector<16xi32>
      %mul3A_421 = arith.muli %get3A_411, %mul3A_420 : vector<16xi32>
      %shift_right_arithmetic3A_422 = arith.constant 3 : i32
      %shift_right_arithmetic3A_423 = vector.broadcast %shift_right_arithmetic3A_422 : i32 to vector<16xi32>
      %shift_right_arithmetic3A_424 = arith.shrsi %get3A_413, %shift_right_arithmetic3A_423 : vector<16xi32>
      %shift_left3A_425 = arith.constant 13 : i32
      %shift_left3A_426 = vector.broadcast %shift_left3A_425 : i32 to vector<16xi32>
      %shift_left3A_427 = arith.shli %shift_right_arithmetic3A_424, %shift_left3A_426 : vector<16xi32>
      %add3A_428 = arith.addi %mul3A_421, %shift_left3A_427 : vector<16xi32>
      %and3A_429 = arith.constant 7 : i32
      %and3A_430 = vector.broadcast %and3A_429 : i32 to vector<16xi32>
      %and3A_431 = arith.andi %get3A_413, %and3A_430 : vector<16xi32>
      %shift_left3A_432 = arith.constant 7 : i32
      %shift_left3A_433 = vector.broadcast %shift_left3A_432 : i32 to vector<16xi32>
      %shift_left3A_434 = arith.shli %and3A_431, %shift_left3A_433 : vector<16xi32>
      %add3A_435 = arith.addi %add3A_428, %shift_left3A_434 : vector<16xi32>
      %add3A_436 = vector.broadcast %add3A_209 : i32 to vector<16xi32>
      %add3A_437 = arith.addi %add3A_435, %add3A_436 : vector<16xi32>
      %mul3A_438 = arith.constant 2 : i32
      %mul3A_439 = arith.muli %mul3A_438, %scan3A_33 : i32
      %add3A_440 = arith.constant 0 : i32
      %add3A_441 = arith.addi %mul3A_439, %add3A_440 : i32
      %swap3A_442 = arith.index_cast %add3A_441 : i32 to index
      %swap3A_443 = arith.constant 80 : index
      %swap3A_444 = tpu.vector_load %arg11[%swap3A_442, %swap3A_443] {strides = array<i32>} : memref<64x112xi32, #tpu.memory_space<vmem>>, vector<16xi32>,
      tpu.vector_store %arg11[%swap3A_442, %swap3A_443], %add3A_437 {strides = array<i32>} : memref<64x112xi32, #tpu.memory_space<vmem>>, vector<16xi32>,
      %swap3A_445 = arith.index_cast %add3A_441 : i32 to index
      %swap3A_446 = arith.constant 80 : index
      %swap3A_447 = tpu.vector_load %arg12[%swap3A_445, %swap3A_446] {strides = array<i32>} : memref<64x112xf32, #tpu.memory_space<vmem>>, vector<16xf32>,
      tpu.vector_store %arg12[%swap3A_445, %swap3A_446], %gather3A_418 {strides = array<i32>} : memref<64x112xf32, #tpu.memory_space<vmem>>, vector<16xf32>,
      %add3A_448 = arith.constant 96 : i32
      %add3A_449 = arith.addi %mul3A_38, %add3A_448 : i32
      %get3A_450 = arith.index_cast %add3A_449 : i32 to index
      %get3A_451 = tpu.vector_load %arg8[%get3A_450] {strides = array<i32>} : memref<7168xi32, #tpu.memory_space<vmem>>, vector<16xi32>,
      %get3A_452 = arith.index_cast %add3A_449 : i32 to index
      %get3A_453 = tpu.vector_load %arg9[%get3A_452] {strides = array<i32>} : memref<7168xi32, #tpu.memory_space<vmem>>, vector<16xi32>,
      %mul3A_454 = arith.constant 64 : i32
      %mul3A_455 = vector.broadcast %mul3A_454 : i32 to vector<16xi32>
      %mul3A_456 = arith.muli %get3A_451, %mul3A_455 : vector<16xi32>
      %add3A_457 = arith.addi %mul3A_456, %get3A_453 : vector<16xi32>
      %gather3A_458 = tpu.vector_load_idx %arg7[%add3A_457] : memref<64000xf32, #tpu.memory_space<vmem>>[vector<16xi32>], vector<16xf32>,
      %mul3A_459 = arith.constant 65536 : i32
      %mul3A_460 = vector.broadcast %mul3A_459 : i32 to vector<16xi32>
      %mul3A_461 = arith.muli %get3A_451, %mul3A_460 : vector<16xi32>
      %shift_right_arithmetic3A_462 = arith.constant 3 : i32
      %shift_right_arithmetic3A_463 = vector.broadcast %shift_right_arithmetic3A_462 : i32 to vector<16xi32>
      %shift_right_arithmetic3A_464 = arith.shrsi %get3A_453, %shift_right_arithmetic3A_463 : vector<16xi32>
      %shift_left3A_465 = arith.constant 13 : i32
      %shift_left3A_466 = vector.broadcast %shift_left3A_465 : i32 to vector<16xi32>
      %shift_left3A_467 = arith.shli %shift_right_arithmetic3A_464, %shift_left3A_466 : vector<16xi32>
      %add3A_468 = arith.addi %mul3A_461, %shift_left3A_467 : vector<16xi32>
      %and3A_469 = arith.constant 7 : i32
      %and3A_470 = vector.broadcast %and3A_469 : i32 to vector<16xi32>
      %and3A_471 = arith.andi %get3A_453, %and3A_470 : vector<16xi32>
      %shift_left3A_472 = arith.constant 7 : i32
      %shift_left3A_473 = vector.broadcast %shift_left3A_472 : i32 to vector<16xi32>
      %shift_left3A_474 = arith.shli %and3A_471, %shift_left3A_473 : vector<16xi32>
      %add3A_475 = arith.addi %add3A_468, %shift_left3A_474 : vector<16xi32>
      %add3A_476 = vector.broadcast %add3A_209 : i32 to vector<16xi32>
      %add3A_477 = arith.addi %add3A_475, %add3A_476 : vector<16xi32>
      %mul3A_478 = arith.constant 2 : i32
      %mul3A_479 = arith.muli %mul3A_478, %scan3A_33 : i32
      %add3A_480 = arith.constant 0 : i32
      %add3A_481 = arith.addi %mul3A_479, %add3A_480 : i32
      %swap3A_482 = arith.index_cast %add3A_481 : i32 to index
      %swap3A_483 = arith.constant 96 : index
      %swap3A_484 = tpu.vector_load %arg11[%swap3A_482, %swap3A_483] {strides = array<i32>} : memref<64x112xi32, #tpu.memory_space<vmem>>, vector<16xi32>,
      tpu.vector_store %arg11[%swap3A_482, %swap3A_483], %add3A_477 {strides = array<i32>} : memref<64x112xi32, #tpu.memory_space<vmem>>, vector<16xi32>,
      %swap3A_485 = arith.index_cast %add3A_481 : i32 to index
      %swap3A_486 = arith.constant 96 : index
      %swap3A_487 = tpu.vector_load %arg12[%swap3A_485, %swap3A_486] {strides = array<i32>} : memref<64x112xf32, #tpu.memory_space<vmem>>, vector<16xf32>,
      tpu.vector_store %arg12[%swap3A_485, %swap3A_486], %gather3A_458 {strides = array<i32>} : memref<64x112xf32, #tpu.memory_space<vmem>>, vector<16xf32>,
      %add3A_488 = arith.constant 112 : i32
      %add3A_489 = arith.addi %mul3A_38, %add3A_488 : i32
      %get3A_490 = arith.index_cast %add3A_489 : i32 to index
      %get3A_491 = tpu.vector_load %arg8[%get3A_490] {strides = array<i32>} : memref<7168xi32, #tpu.memory_space<vmem>>, vector<16xi32>,
      %get3A_492 = arith.index_cast %add3A_489 : i32 to index
      %get3A_493 = tpu.vector_load %arg9[%get3A_492] {strides = array<i32>} : memref<7168xi32, #tpu.memory_space<vmem>>, vector<16xi32>,
      %mul3A_494 = arith.constant 64 : i32
      %mul3A_495 = vector.broadcast %mul3A_494 : i32 to vector<16xi32>
      %mul3A_496 = arith.muli %get3A_491, %mul3A_495 : vector<16xi32>
      %add3A_497 = arith.addi %mul3A_496, %get3A_493 : vector<16xi32>
      %gather3A_498 = tpu.vector_load_idx %arg7[%add3A_497] : memref<64000xf32, #tpu.memory_space<vmem>>[vector<16xi32>], vector<16xf32>,
      %mul3A_499 = arith.constant 65536 : i32
      %mul3A_500 = vector.broadcast %mul3A_499 : i32 to vector<16xi32>
      %mul3A_501 = arith.muli %get3A_491, %mul3A_500 : vector<16xi32>
      %shift_right_arithmetic3A_502 = arith.constant 3 : i32
      %shift_right_arithmetic3A_503 = vector.broadcast %shift_right_arithmetic3A_502 : i32 to vector<16xi32>
      %shift_right_arithmetic3A_504 = arith.shrsi %get3A_493, %shift_right_arithmetic3A_503 : vector<16xi32>
      %shift_left3A_505 = arith.constant 13 : i32
      %shift_left3A_506 = vector.broadcast %shift_left3A_505 : i32 to vector<16xi32>
      %shift_left3A_507 = arith.shli %shift_right_arithmetic3A_504, %shift_left3A_506 : vector<16xi32>
      %add3A_508 = arith.addi %mul3A_501, %shift_left3A_507 : vector<16xi32>
      %and3A_509 = arith.constant 7 : i32
      %and3A_510 = vector.broadcast %and3A_509 : i32 to vector<16xi32>
      %and3A_511 = arith.andi %get3A_493, %and3A_510 : vector<16xi32>
      %shift_left3A_512 = arith.constant 7 : i32
      %shift_left3A_513 = vector.broadcast %shift_left3A_512 : i32 to vector<16xi32>
      %shift_left3A_514 = arith.shli %and3A_511, %shift_left3A_513 : vector<16xi32>
      %add3A_515 = arith.addi %add3A_508, %shift_left3A_514 : vector<16xi32>
      %add3A_516 = vector.broadcast %add3A_209 : i32 to vector<16xi32>
      %add3A_517 = arith.addi %add3A_515, %add3A_516 : vector<16xi32>
      %mul3A_518 = arith.constant 2 : i32
      %mul3A_519 = arith.muli %mul3A_518, %scan3A_33 : i32
      %add3A_520 = arith.constant 1 : i32
      %add3A_521 = arith.addi %mul3A_519, %add3A_520 : i32
      %swap3A_522 = arith.index_cast %add3A_521 : i32 to index
      %swap3A_523 = arith.constant 0 : index
      %swap3A_524 = tpu.vector_load %arg11[%swap3A_522, %swap3A_523] {strides = array<i32>} : memref<64x112xi32, #tpu.memory_space<vmem>>, vector<16xi32>,
      tpu.vector_store %arg11[%swap3A_522, %swap3A_523], %add3A_517 {strides = array<i32>} : memref<64x112xi32, #tpu.memory_space<vmem>>, vector<16xi32>,
      %swap3A_525 = arith.index_cast %add3A_521 : i32 to index
      %swap3A_526 = arith.constant 0 : index
      %swap3A_527 = tpu.vector_load %arg12[%swap3A_525, %swap3A_526] {strides = array<i32>} : memref<64x112xf32, #tpu.memory_space<vmem>>, vector<16xf32>,
      tpu.vector_store %arg12[%swap3A_525, %swap3A_526], %gather3A_498 {strides = array<i32>} : memref<64x112xf32, #tpu.memory_space<vmem>>, vector<16xf32>,
      %add3A_528 = arith.constant 128 : i32
      %add3A_529 = arith.addi %mul3A_38, %add3A_528 : i32
      %get3A_530 = arith.index_cast %add3A_529 : i32 to index
      %get3A_531 = tpu.vector_load %arg8[%get3A_530] {strides = array<i32>} : memref<7168xi32, #tpu.memory_space<vmem>>, vector<16xi32>,
      %get3A_532 = arith.index_cast %add3A_529 : i32 to index
      %get3A_533 = tpu.vector_load %arg9[%get3A_532] {strides = array<i32>} : memref<7168xi32, #tpu.memory_space<vmem>>, vector<16xi32>,
      %mul3A_534 = arith.constant 64 : i32
      %mul3A_535 = vector.broadcast %mul3A_534 : i32 to vector<16xi32>
      %mul3A_536 = arith.muli %get3A_531, %mul3A_535 : vector<16xi32>
      %add3A_537 = arith.addi %mul3A_536, %get3A_533 : vector<16xi32>
      %gather3A_538 = tpu.vector_load_idx %arg7[%add3A_537] : memref<64000xf32, #tpu.memory_space<vmem>>[vector<16xi32>], vector<16xf32>,
      %mul3A_539 = arith.constant 65536 : i32
      %mul3A_540 = vector.broadcast %mul3A_539 : i32 to vector<16xi32>
      %mul3A_541 = arith.muli %get3A_531, %mul3A_540 : vector<16xi32>
      %shift_right_arithmetic3A_542 = arith.constant 3 : i32
      %shift_right_arithmetic3A_543 = vector.broadcast %shift_right_arithmetic3A_542 : i32 to vector<16xi32>
      %shift_right_arithmetic3A_544 = arith.shrsi %get3A_533, %shift_right_arithmetic3A_543 : vector<16xi32>
      %shift_left3A_545 = arith.constant 13 : i32
      %shift_left3A_546 = vector.broadcast %shift_left3A_545 : i32 to vector<16xi32>
      %shift_left3A_547 = arith.shli %shift_right_arithmetic3A_544, %shift_left3A_546 : vector<16xi32>
      %add3A_548 = arith.addi %mul3A_541, %shift_left3A_547 : vector<16xi32>
      %and3A_549 = arith.constant 7 : i32
      %and3A_550 = vector.broadcast %and3A_549 : i32 to vector<16xi32>
      %and3A_551 = arith.andi %get3A_533, %and3A_550 : vector<16xi32>
      %shift_left3A_552 = arith.constant 7 : i32
      %shift_left3A_553 = vector.broadcast %shift_left3A_552 : i32 to vector<16xi32>
      %shift_left3A_554 = arith.shli %and3A_551, %shift_left3A_553 : vector<16xi32>
      %add3A_555 = arith.addi %add3A_548, %shift_left3A_554 : vector<16xi32>
      %add3A_556 = vector.broadcast %add3A_209 : i32 to vector<16xi32>
      %add3A_557 = arith.addi %add3A_555, %add3A_556 : vector<16xi32>
      %mul3A_558 = arith.constant 2 : i32
      %mul3A_559 = arith.muli %mul3A_558, %scan3A_33 : i32
      %add3A_560 = arith.constant 1 : i32
      %add3A_561 = arith.addi %mul3A_559, %add3A_560 : i32
      %swap3A_562 = arith.index_cast %add3A_561 : i32 to index
      %swap3A_563 = arith.constant 16 : index
      %swap3A_564 = tpu.vector_load %arg11[%swap3A_562, %swap3A_563] {strides = array<i32>} : memref<64x112xi32, #tpu.memory_space<vmem>>, vector<16xi32>,
      tpu.vector_store %arg11[%swap3A_562, %swap3A_563], %add3A_557 {strides = array<i32>} : memref<64x112xi32, #tpu.memory_space<vmem>>, vector<16xi32>,
      %swap3A_565 = arith.index_cast %add3A_561 : i32 to index
      %swap3A_566 = arith.constant 16 : index
      %swap3A_567 = tpu.vector_load %arg12[%swap3A_565, %swap3A_566] {strides = array<i32>} : memref<64x112xf32, #tpu.memory_space<vmem>>, vector<16xf32>,
      tpu.vector_store %arg12[%swap3A_565, %swap3A_566], %gather3A_538 {strides = array<i32>} : memref<64x112xf32, #tpu.memory_space<vmem>>, vector<16xf32>,
      %add3A_568 = arith.constant 144 : i32
      %add3A_569 = arith.addi %mul3A_38, %add3A_568 : i32
      %get3A_570 = arith.index_cast %add3A_569 : i32 to index
      %get3A_571 = tpu.vector_load %arg8[%get3A_570] {strides = array<i32>} : memref<7168xi32, #tpu.memory_space<vmem>>, vector<16xi32>,
      %get3A_572 = arith.index_cast %add3A_569 : i32 to index
      %get3A_573 = tpu.vector_load %arg9[%get3A_572] {strides = array<i32>} : memref<7168xi32, #tpu.memory_space<vmem>>, vector<16xi32>,
      %mul3A_574 = arith.constant 64 : i32
      %mul3A_575 = vector.broadcast %mul3A_574 : i32 to vector<16xi32>
      %mul3A_576 = arith.muli %get3A_571, %mul3A_575 : vector<16xi32>
      %add3A_577 = arith.addi %mul3A_576, %get3A_573 : vector<16xi32>
      %gather3A_578 = tpu.vector_load_idx %arg7[%add3A_577] : memref<64000xf32, #tpu.memory_space<vmem>>[vector<16xi32>], vector<16xf32>,
      %mul3A_579 = arith.constant 65536 : i32
      %mul3A_580 = vector.broadcast %mul3A_579 : i32 to vector<16xi32>
      %mul3A_581 = arith.muli %get3A_571, %mul3A_580 : vector<16xi32>
      %shift_right_arithmetic3A_582 = arith.constant 3 : i32
      %shift_right_arithmetic3A_583 = vector.broadcast %shift_right_arithmetic3A_582 : i32 to vector<16xi32>
      %shift_right_arithmetic3A_584 = arith.shrsi %get3A_573, %shift_right_arithmetic3A_583 : vector<16xi32>
      %shift_left3A_585 = arith.constant 13 : i32
      %shift_left3A_586 = vector.broadcast %shift_left3A_585 : i32 to vector<16xi32>
      %shift_left3A_587 = arith.shli %shift_right_arithmetic3A_584, %shift_left3A_586 : vector<16xi32>
      %add3A_588 = arith.addi %mul3A_581, %shift_left3A_587 : vector<16xi32>
      %and3A_589 = arith.constant 7 : i32
      %and3A_590 = vector.broadcast %and3A_589 : i32 to vector<16xi32>
      %and3A_591 = arith.andi %get3A_573, %and3A_590 : vector<16xi32>
      %shift_left3A_592 = arith.constant 7 : i32
      %shift_left3A_593 = vector.broadcast %shift_left3A_592 : i32 to vector<16xi32>
      %shift_left3A_594 = arith.shli %and3A_591, %shift_left3A_593 : vector<16xi32>
      %add3A_595 = arith.addi %add3A_588, %shift_left3A_594 : vector<16xi32>
      %add3A_596 = vector.broadcast %add3A_209 : i32 to vector<16xi32>
      %add3A_597 = arith.addi %add3A_595, %add3A_596 : vector<16xi32>
      %mul3A_598 = arith.constant 2 : i32
      %mul3A_599 = arith.muli %mul3A_598, %scan3A_33 : i32
      %add3A_600 = arith.constant 1 : i32
      %add3A_601 = arith.addi %mul3A_599, %add3A_600 : i32
      %swap3A_602 = arith.index_cast %add3A_601 : i32 to index
      %swap3A_603 = arith.constant 32 : index
      %swap3A_604 = tpu.vector_load %arg11[%swap3A_602, %swap3A_603] {strides = array<i32>} : memref<64x112xi32, #tpu.memory_space<vmem>>, vector<16xi32>,
      tpu.vector_store %arg11[%swap3A_602, %swap3A_603], %add3A_597 {strides = array<i32>} : memref<64x112xi32, #tpu.memory_space<vmem>>, vector<16xi32>,
      %swap3A_605 = arith.index_cast %add3A_601 : i32 to index
      %swap3A_606 = arith.constant 32 : index
      %swap3A_607 = tpu.vector_load %arg12[%swap3A_605, %swap3A_606] {strides = array<i32>} : memref<64x112xf32, #tpu.memory_space<vmem>>, vector<16xf32>,
      tpu.vector_store %arg12[%swap3A_605, %swap3A_606], %gather3A_578 {strides = array<i32>} : memref<64x112xf32, #tpu.memory_space<vmem>>, vector<16xf32>,
      %add3A_608 = arith.constant 160 : i32
      %add3A_609 = arith.addi %mul3A_38, %add3A_608 : i32
      %get3A_610 = arith.index_cast %add3A_609 : i32 to index
      %get3A_611 = tpu.vector_load %arg8[%get3A_610] {strides = array<i32>} : memref<7168xi32, #tpu.memory_space<vmem>>, vector<16xi32>,
      %get3A_612 = arith.index_cast %add3A_609 : i32 to index
      %get3A_613 = tpu.vector_load %arg9[%get3A_612] {strides = array<i32>} : memref<7168xi32, #tpu.memory_space<vmem>>, vector<16xi32>,
      %mul3A_614 = arith.constant 64 : i32
      %mul3A_615 = vector.broadcast %mul3A_614 : i32 to vector<16xi32>
      %mul3A_616 = arith.muli %get3A_611, %mul3A_615 : vector<16xi32>
      %add3A_617 = arith.addi %mul3A_616, %get3A_613 : vector<16xi32>
      %gather3A_618 = tpu.vector_load_idx %arg7[%add3A_617] : memref<64000xf32, #tpu.memory_space<vmem>>[vector<16xi32>], vector<16xf32>,
      %mul3A_619 = arith.constant 65536 : i32
      %mul3A_620 = vector.broadcast %mul3A_619 : i32 to vector<16xi32>
      %mul3A_621 = arith.muli %get3A_611, %mul3A_620 : vector<16xi32>
      %shift_right_arithmetic3A_622 = arith.constant 3 : i32
      %shift_right_arithmetic3A_623 = vector.broadcast %shift_right_arithmetic3A_622 : i32 to vector<16xi32>
      %shift_right_arithmetic3A_624 = arith.shrsi %get3A_613, %shift_right_arithmetic3A_623 : vector<16xi32>
      %shift_left3A_625 = arith.constant 13 : i32
      %shift_left3A_626 = vector.broadcast %shift_left3A_625 : i32 to vector<16xi32>
      %shift_left3A_627 = arith.shli %shift_right_arithmetic3A_624, %shift_left3A_626 : vector<16xi32>
      %add3A_628 = arith.addi %mul3A_621, %shift_left3A_627 : vector<16xi32>
      %and3A_629 = arith.constant 7 : i32
      %and3A_630 = vector.broadcast %and3A_629 : i32 to vector<16xi32>
      %and3A_631 = arith.andi %get3A_613, %and3A_630 : vector<16xi32>
      %shift_left3A_632 = arith.constant 7 : i32
      %shift_left3A_633 = vector.broadcast %shift_left3A_632 : i32 to vector<16xi32>
      %shift_left3A_634 = arith.shli %and3A_631, %shift_left3A_633 : vector<16xi32>
      %add3A_635 = arith.addi %add3A_628, %shift_left3A_634 : vector<16xi32>
      %add3A_636 = vector.broadcast %add3A_209 : i32 to vector<16xi32>
      %add3A_637 = arith.addi %add3A_635, %add3A_636 : vector<16xi32>
      %mul3A_638 = arith.constant 2 : i32
      %mul3A_639 = arith.muli %mul3A_638, %scan3A_33 : i32
      %add3A_640 = arith.constant 1 : i32
      %add3A_641 = arith.addi %mul3A_639, %add3A_640 : i32
      %swap3A_642 = arith.index_cast %add3A_641 : i32 to index
      %swap3A_643 = arith.constant 48 : index
      %swap3A_644 = tpu.vector_load %arg11[%swap3A_642, %swap3A_643] {strides = array<i32>} : memref<64x112xi32, #tpu.memory_space<vmem>>, vector<16xi32>,
      tpu.vector_store %arg11[%swap3A_642, %swap3A_643], %add3A_637 {strides = array<i32>} : memref<64x112xi32, #tpu.memory_space<vmem>>, vector<16xi32>,
      %swap3A_645 = arith.index_cast %add3A_641 : i32 to index
      %swap3A_646 = arith.constant 48 : index
      %swap3A_647 = tpu.vector_load %arg12[%swap3A_645, %swap3A_646] {strides = array<i32>} : memref<64x112xf32, #tpu.memory_space<vmem>>, vector<16xf32>,
      tpu.vector_store %arg12[%swap3A_645, %swap3A_646], %gather3A_618 {strides = array<i32>} : memref<64x112xf32, #tpu.memory_space<vmem>>, vector<16xf32>,
      %add3A_648 = arith.constant 176 : i32
      %add3A_649 = arith.addi %mul3A_38, %add3A_648 : i32
      %get3A_650 = arith.index_cast %add3A_649 : i32 to index
      %get3A_651 = tpu.vector_load %arg8[%get3A_650] {strides = array<i32>} : memref<7168xi32, #tpu.memory_space<vmem>>, vector<16xi32>,
      %get3A_652 = arith.index_cast %add3A_649 : i32 to index
      %get3A_653 = tpu.vector_load %arg9[%get3A_652] {strides = array<i32>} : memref<7168xi32, #tpu.memory_space<vmem>>, vector<16xi32>,
      %mul3A_654 = arith.constant 64 : i32
      %mul3A_655 = vector.broadcast %mul3A_654 : i32 to vector<16xi32>
      %mul3A_656 = arith.muli %get3A_651, %mul3A_655 : vector<16xi32>
      %add3A_657 = arith.addi %mul3A_656, %get3A_653 : vector<16xi32>
      %gather3A_658 = tpu.vector_load_idx %arg7[%add3A_657] : memref<64000xf32, #tpu.memory_space<vmem>>[vector<16xi32>], vector<16xf32>,
      %mul3A_659 = arith.constant 65536 : i32
      %mul3A_660 = vector.broadcast %mul3A_659 : i32 to vector<16xi32>
      %mul3A_661 = arith.muli %get3A_651, %mul3A_660 : vector<16xi32>
      %shift_right_arithmetic3A_662 = arith.constant 3 : i32
      %shift_right_arithmetic3A_663 = vector.broadcast %shift_right_arithmetic3A_662 : i32 to vector<16xi32>
      %shift_right_arithmetic3A_664 = arith.shrsi %get3A_653, %shift_right_arithmetic3A_663 : vector<16xi32>
      %shift_left3A_665 = arith.constant 13 : i32
      %shift_left3A_666 = vector.broadcast %shift_left3A_665 : i32 to vector<16xi32>
      %shift_left3A_667 = arith.shli %shift_right_arithmetic3A_664, %shift_left3A_666 : vector<16xi32>
      %add3A_668 = arith.addi %mul3A_661, %shift_left3A_667 : vector<16xi32>
      %and3A_669 = arith.constant 7 : i32
      %and3A_670 = vector.broadcast %and3A_669 : i32 to vector<16xi32>
      %and3A_671 = arith.andi %get3A_653, %and3A_670 : vector<16xi32>
      %shift_left3A_672 = arith.constant 7 : i32
      %shift_left3A_673 = vector.broadcast %shift_left3A_672 : i32 to vector<16xi32>
      %shift_left3A_674 = arith.shli %and3A_671, %shift_left3A_673 : vector<16xi32>
      %add3A_675 = arith.addi %add3A_668, %shift_left3A_674 : vector<16xi32>
      %add3A_676 = vector.broadcast %add3A_209 : i32 to vector<16xi32>
      %add3A_677 = arith.addi %add3A_675, %add3A_676 : vector<16xi32>
      %mul3A_678 = arith.constant 2 : i32
      %mul3A_679 = arith.muli %mul3A_678, %scan3A_33 : i32
      %add3A_680 = arith.constant 1 : i32
      %add3A_681 = arith.addi %mul3A_679, %add3A_680 : i32
      %swap3A_682 = arith.index_cast %add3A_681 : i32 to index
      %swap3A_683 = arith.constant 64 : index
      %swap3A_684 = tpu.vector_load %arg11[%swap3A_682, %swap3A_683] {strides = array<i32>} : memref<64x112xi32, #tpu.memory_space<vmem>>, vector<16xi32>,
      tpu.vector_store %arg11[%swap3A_682, %swap3A_683], %add3A_677 {strides = array<i32>} : memref<64x112xi32, #tpu.memory_space<vmem>>, vector<16xi32>,
      %swap3A_685 = arith.index_cast %add3A_681 : i32 to index
      %swap3A_686 = arith.constant 64 : index
      %swap3A_687 = tpu.vector_load %arg12[%swap3A_685, %swap3A_686] {strides = array<i32>} : memref<64x112xf32, #tpu.memory_space<vmem>>, vector<16xf32>,
      tpu.vector_store %arg12[%swap3A_685, %swap3A_686], %gather3A_658 {strides = array<i32>} : memref<64x112xf32, #tpu.memory_space<vmem>>, vector<16xf32>,
      %add3A_688 = arith.constant 192 : i32
      %add3A_689 = arith.addi %mul3A_38, %add3A_688 : i32
      %get3A_690 = arith.index_cast %add3A_689 : i32 to index
      %get3A_691 = tpu.vector_load %arg8[%get3A_690] {strides = array<i32>} : memref<7168xi32, #tpu.memory_space<vmem>>, vector<16xi32>,
      %get3A_692 = arith.index_cast %add3A_689 : i32 to index
      %get3A_693 = tpu.vector_load %arg9[%get3A_692] {strides = array<i32>} : memref<7168xi32, #tpu.memory_space<vmem>>, vector<16xi32>,
      %mul3A_694 = arith.constant 64 : i32
      %mul3A_695 = vector.broadcast %mul3A_694 : i32 to vector<16xi32>
      %mul3A_696 = arith.muli %get3A_691, %mul3A_695 : vector<16xi32>
      %add3A_697 = arith.addi %mul3A_696, %get3A_693 : vector<16xi32>
      %gather3A_698 = tpu.vector_load_idx %arg7[%add3A_697] : memref<64000xf32, #tpu.memory_space<vmem>>[vector<16xi32>], vector<16xf32>,
      %mul3A_699 = arith.constant 65536 : i32
      %mul3A_700 = vector.broadcast %mul3A_699 : i32 to vector<16xi32>
      %mul3A_701 = arith.muli %get3A_691, %mul3A_700 : vector<16xi32>
      %shift_right_arithmetic3A_702 = arith.constant 3 : i32
      %shift_right_arithmetic3A_703 = vector.broadcast %shift_right_arithmetic3A_702 : i32 to vector<16xi32>
      %shift_right_arithmetic3A_704 = arith.shrsi %get3A_693, %shift_right_arithmetic3A_703 : vector<16xi32>
      %shift_left3A_705 = arith.constant 13 : i32
      %shift_left3A_706 = vector.broadcast %shift_left3A_705 : i32 to vector<16xi32>
      %shift_left3A_707 = arith.shli %shift_right_arithmetic3A_704, %shift_left3A_706 : vector<16xi32>
      %add3A_708 = arith.addi %mul3A_701, %shift_left3A_707 : vector<16xi32>
      %and3A_709 = arith.constant 7 : i32
      %and3A_710 = vector.broadcast %and3A_709 : i32 to vector<16xi32>
      %and3A_711 = arith.andi %get3A_693, %and3A_710 : vector<16xi32>
      %shift_left3A_712 = arith.constant 7 : i32
      %shift_left3A_713 = vector.broadcast %shift_left3A_712 : i32 to vector<16xi32>
      %shift_left3A_714 = arith.shli %and3A_711, %shift_left3A_713 : vector<16xi32>
      %add3A_715 = arith.addi %add3A_708, %shift_left3A_714 : vector<16xi32>
      %add3A_716 = vector.broadcast %add3A_209 : i32 to vector<16xi32>
      %add3A_717 = arith.addi %add3A_715, %add3A_716 : vector<16xi32>
      %mul3A_718 = arith.constant 2 : i32
      %mul3A_719 = arith.muli %mul3A_718, %scan3A_33 : i32
      %add3A_720 = arith.constant 1 : i32
      %add3A_721 = arith.addi %mul3A_719, %add3A_720 : i32
      %swap3A_722 = arith.index_cast %add3A_721 : i32 to index
      %swap3A_723 = arith.constant 80 : index
      %swap3A_724 = tpu.vector_load %arg11[%swap3A_722, %swap3A_723] {strides = array<i32>} : memref<64x112xi32, #tpu.memory_space<vmem>>, vector<16xi32>,
      tpu.vector_store %arg11[%swap3A_722, %swap3A_723], %add3A_717 {strides = array<i32>} : memref<64x112xi32, #tpu.memory_space<vmem>>, vector<16xi32>,
      %swap3A_725 = arith.index_cast %add3A_721 : i32 to index
      %swap3A_726 = arith.constant 80 : index
      %swap3A_727 = tpu.vector_load %arg12[%swap3A_725, %swap3A_726] {strides = array<i32>} : memref<64x112xf32, #tpu.memory_space<vmem>>, vector<16xf32>,
      tpu.vector_store %arg12[%swap3A_725, %swap3A_726], %gather3A_698 {strides = array<i32>} : memref<64x112xf32, #tpu.memory_space<vmem>>, vector<16xf32>,
      %add3A_728 = arith.constant 208 : i32
      %add3A_729 = arith.addi %mul3A_38, %add3A_728 : i32
      %get3A_730 = arith.index_cast %add3A_729 : i32 to index
      %get3A_731 = tpu.vector_load %arg8[%get3A_730] {strides = array<i32>} : memref<7168xi32, #tpu.memory_space<vmem>>, vector<16xi32>,
      %get3A_732 = arith.index_cast %add3A_729 : i32 to index
      %get3A_733 = tpu.vector_load %arg9[%get3A_732] {strides = array<i32>} : memref<7168xi32, #tpu.memory_space<vmem>>, vector<16xi32>,
      %mul3A_734 = arith.constant 64 : i32
      %mul3A_735 = vector.broadcast %mul3A_734 : i32 to vector<16xi32>
      %mul3A_736 = arith.muli %get3A_731, %mul3A_735 : vector<16xi32>
      %add3A_737 = arith.addi %mul3A_736, %get3A_733 : vector<16xi32>
      %gather3A_738 = tpu.vector_load_idx %arg7[%add3A_737] : memref<64000xf32, #tpu.memory_space<vmem>>[vector<16xi32>], vector<16xf32>,
      %mul3A_739 = arith.constant 65536 : i32
      %mul3A_740 = vector.broadcast %mul3A_739 : i32 to vector<16xi32>
      %mul3A_741 = arith.muli %get3A_731, %mul3A_740 : vector<16xi32>
      %shift_right_arithmetic3A_742 = arith.constant 3 : i32
      %shift_right_arithmetic3A_743 = vector.broadcast %shift_right_arithmetic3A_742 : i32 to vector<16xi32>
      %shift_right_arithmetic3A_744 = arith.shrsi %get3A_733, %shift_right_arithmetic3A_743 : vector<16xi32>
      %shift_left3A_745 = arith.constant 13 : i32
      %shift_left3A_746 = vector.broadcast %shift_left3A_745 : i32 to vector<16xi32>
      %shift_left3A_747 = arith.shli %shift_right_arithmetic3A_744, %shift_left3A_746 : vector<16xi32>
      %add3A_748 = arith.addi %mul3A_741, %shift_left3A_747 : vector<16xi32>
      %and3A_749 = arith.constant 7 : i32
      %and3A_750 = vector.broadcast %and3A_749 : i32 to vector<16xi32>
      %and3A_751 = arith.andi %get3A_733, %and3A_750 : vector<16xi32>
      %shift_left3A_752 = arith.constant 7 : i32
      %shift_left3A_753 = vector.broadcast %shift_left3A_752 : i32 to vector<16xi32>
      %shift_left3A_754 = arith.shli %and3A_751, %shift_left3A_753 : vector<16xi32>
      %add3A_755 = arith.addi %add3A_748, %shift_left3A_754 : vector<16xi32>
      %add3A_756 = vector.broadcast %add3A_209 : i32 to vector<16xi32>
      %add3A_757 = arith.addi %add3A_755, %add3A_756 : vector<16xi32>
      %mul3A_758 = arith.constant 2 : i32
      %mul3A_759 = arith.muli %mul3A_758, %scan3A_33 : i32
      %add3A_760 = arith.constant 1 : i32
      %add3A_761 = arith.addi %mul3A_759, %add3A_760 : i32
      %swap3A_762 = arith.index_cast %add3A_761 : i32 to index
      %swap3A_763 = arith.constant 96 : index
      %swap3A_764 = tpu.vector_load %arg11[%swap3A_762, %swap3A_763] {strides = array<i32>} : memref<64x112xi32, #tpu.memory_space<vmem>>, vector<16xi32>,
      tpu.vector_store %arg11[%swap3A_762, %swap3A_763], %add3A_757 {strides = array<i32>} : memref<64x112xi32, #tpu.memory_space<vmem>>, vector<16xi32>,
      %swap3A_765 = arith.index_cast %add3A_761 : i32 to index
      %swap3A_766 = arith.constant 96 : index
      %swap3A_767 = tpu.vector_load %arg12[%swap3A_765, %swap3A_766] {strides = array<i32>} : memref<64x112xf32, #tpu.memory_space<vmem>>, vector<16xf32>,
      tpu.vector_store %arg12[%swap3A_765, %swap3A_766], %gather3A_738 {strides = array<i32>} : memref<64x112xf32, #tpu.memory_space<vmem>>, vector<16xf32>,
      %add3A_768 = arith.constant 0 : i32
      %add3A_769 = arith.addi %mul3A_38, %add3A_768 : i32
      %get3A_770 = arith.index_cast %add3A_769 : i32 to index
      %get3A_771 = tpu.vector_load %arg8[%get3A_770] {strides = array<i32>} : memref<7168xi32, #tpu.memory_space<vmem>>, vector<16xi32>,
      %mul3A_772 = arith.constant 64 : i32
      %mul3A_773 = vector.broadcast %mul3A_772 : i32 to vector<16xi32>
      %mul3A_774 = arith.muli %get3A_771, %mul3A_773 : vector<16xi32>
      %get3A_775 = arith.index_cast %add3A_769 : i32 to index
      %get3A_776 = tpu.vector_load %arg9[%get3A_775] {strides = array<i32>} : memref<7168xi32, #tpu.memory_space<vmem>>, vector<16xi32>,
      %add3A_777 = arith.addi %mul3A_774, %get3A_776 : vector<16xi32>
      tpu.vector_store_idx %arg7[%add3A_777], %broadcast_in_dim3A_3 : memref<64000xf32, #tpu.memory_space<vmem>>[vector<16xi32>], vector<16xf32>,
      %add3A_778 = arith.constant 16 : i32
      %add3A_779 = arith.addi %mul3A_38, %add3A_778 : i32
      %get3A_780 = arith.index_cast %add3A_779 : i32 to index
      %get3A_781 = tpu.vector_load %arg8[%get3A_780] {strides = array<i32>} : memref<7168xi32, #tpu.memory_space<vmem>>, vector<16xi32>,
      %mul3A_782 = arith.constant 64 : i32
      %mul3A_783 = vector.broadcast %mul3A_782 : i32 to vector<16xi32>
      %mul3A_784 = arith.muli %get3A_781, %mul3A_783 : vector<16xi32>
      %get3A_785 = arith.index_cast %add3A_779 : i32 to index
      %get3A_786 = tpu.vector_load %arg9[%get3A_785] {strides = array<i32>} : memref<7168xi32, #tpu.memory_space<vmem>>, vector<16xi32>,
      %add3A_787 = arith.addi %mul3A_784, %get3A_786 : vector<16xi32>
      tpu.vector_store_idx %arg7[%add3A_787], %broadcast_in_dim3A_3 : memref<64000xf32, #tpu.memory_space<vmem>>[vector<16xi32>], vector<16xf32>,
      %add3A_788 = arith.constant 32 : i32
      %add3A_789 = arith.addi %mul3A_38, %add3A_788 : i32
      %get3A_790 = arith.index_cast %add3A_789 : i32 to index
      %get3A_791 = tpu.vector_load %arg8[%get3A_790] {strides = array<i32>} : memref<7168xi32, #tpu.memory_space<vmem>>, vector<16xi32>,
      %mul3A_792 = arith.constant 64 : i32
      %mul3A_793 = vector.broadcast %mul3A_792 : i32 to vector<16xi32>
      %mul3A_794 = arith.muli %get3A_791, %mul3A_793 : vector<16xi32>
      %get3A_795 = arith.index_cast %add3A_789 : i32 to index
      %get3A_796 = tpu.vector_load %arg9[%get3A_795] {strides = array<i32>} : memref<7168xi32, #tpu.memory_space<vmem>>, vector<16xi32>,
      %add3A_797 = arith.addi %mul3A_794, %get3A_796 : vector<16xi32>
      tpu.vector_store_idx %arg7[%add3A_797], %broadcast_in_dim3A_3 : memref<64000xf32, #tpu.memory_space<vmem>>[vector<16xi32>], vector<16xf32>,
      %add3A_798 = arith.constant 48 : i32
      %add3A_799 = arith.addi %mul3A_38, %add3A_798 : i32
      %get3A_800 = arith.index_cast %add3A_799 : i32 to index
      %get3A_801 = tpu.vector_load %arg8[%get3A_800] {strides = array<i32>} : memref<7168xi32, #tpu.memory_space<vmem>>, vector<16xi32>,
      %mul3A_802 = arith.constant 64 : i32
      %mul3A_803 = vector.broadcast %mul3A_802 : i32 to vector<16xi32>
      %mul3A_804 = arith.muli %get3A_801, %mul3A_803 : vector<16xi32>
      %get3A_805 = arith.index_cast %add3A_799 : i32 to index
      %get3A_806 = tpu.vector_load %arg9[%get3A_805] {strides = array<i32>} : memref<7168xi32, #tpu.memory_space<vmem>>, vector<16xi32>,
      %add3A_807 = arith.addi %mul3A_804, %get3A_806 : vector<16xi32>
      tpu.vector_store_idx %arg7[%add3A_807], %broadcast_in_dim3A_3 : memref<64000xf32, #tpu.memory_space<vmem>>[vector<16xi32>], vector<16xf32>,
      %add3A_808 = arith.constant 64 : i32
      %add3A_809 = arith.addi %mul3A_38, %add3A_808 : i32
      %get3A_810 = arith.index_cast %add3A_809 : i32 to index
      %get3A_811 = tpu.vector_load %arg8[%get3A_810] {strides = array<i32>} : memref<7168xi32, #tpu.memory_space<vmem>>, vector<16xi32>,
      %mul3A_812 = arith.constant 64 : i32
      %mul3A_813 = vector.broadcast %mul3A_812 : i32 to vector<16xi32>
      %mul3A_814 = arith.muli %get3A_811, %mul3A_813 : vector<16xi32>
      %get3A_815 = arith.index_cast %add3A_809 : i32 to index
      %get3A_816 = tpu.vector_load %arg9[%get3A_815] {strides = array<i32>} : memref<7168xi32, #tpu.memory_space<vmem>>, vector<16xi32>,
      %add3A_817 = arith.addi %mul3A_814, %get3A_816 : vector<16xi32>
      tpu.vector_store_idx %arg7[%add3A_817], %broadcast_in_dim3A_3 : memref<64000xf32, #tpu.memory_space<vmem>>[vector<16xi32>], vector<16xf32>,
      %add3A_818 = arith.constant 80 : i32
      %add3A_819 = arith.addi %mul3A_38, %add3A_818 : i32
      %get3A_820 = arith.index_cast %add3A_819 : i32 to index
      %get3A_821 = tpu.vector_load %arg8[%get3A_820] {strides = array<i32>} : memref<7168xi32, #tpu.memory_space<vmem>>, vector<16xi32>,
      %mul3A_822 = arith.constant 64 : i32
      %mul3A_823 = vector.broadcast %mul3A_822 : i32 to vector<16xi32>
      %mul3A_824 = arith.muli %get3A_821, %mul3A_823 : vector<16xi32>
      %get3A_825 = arith.index_cast %add3A_819 : i32 to index
      %get3A_826 = tpu.vector_load %arg9[%get3A_825] {strides = array<i32>} : memref<7168xi32, #tpu.memory_space<vmem>>, vector<16xi32>,
      %add3A_827 = arith.addi %mul3A_824, %get3A_826 : vector<16xi32>
      tpu.vector_store_idx %arg7[%add3A_827], %broadcast_in_dim3A_3 : memref<64000xf32, #tpu.memory_space<vmem>>[vector<16xi32>], vector<16xf32>,
      %add3A_828 = arith.constant 96 : i32
      %add3A_829 = arith.addi %mul3A_38, %add3A_828 : i32
      %get3A_830 = arith.index_cast %add3A_829 : i32 to index
      %get3A_831 = tpu.vector_load %arg8[%get3A_830] {strides = array<i32>} : memref<7168xi32, #tpu.memory_space<vmem>>, vector<16xi32>,
      %mul3A_832 = arith.constant 64 : i32
      %mul3A_833 = vector.broadcast %mul3A_832 : i32 to vector<16xi32>
      %mul3A_834 = arith.muli %get3A_831, %mul3A_833 : vector<16xi32>
      %get3A_835 = arith.index_cast %add3A_829 : i32 to index
      %get3A_836 = tpu.vector_load %arg9[%get3A_835] {strides = array<i32>} : memref<7168xi32, #tpu.memory_space<vmem>>, vector<16xi32>,
      %add3A_837 = arith.addi %mul3A_834, %get3A_836 : vector<16xi32>
      tpu.vector_store_idx %arg7[%add3A_837], %broadcast_in_dim3A_3 : memref<64000xf32, #tpu.memory_space<vmem>>[vector<16xi32>], vector<16xf32>,
      %add3A_838 = arith.constant 112 : i32
      %add3A_839 = arith.addi %mul3A_38, %add3A_838 : i32
      %get3A_840 = arith.index_cast %add3A_839 : i32 to index
      %get3A_841 = tpu.vector_load %arg8[%get3A_840] {strides = array<i32>} : memref<7168xi32, #tpu.memory_space<vmem>>, vector<16xi32>,
      %mul3A_842 = arith.constant 64 : i32
      %mul3A_843 = vector.broadcast %mul3A_842 : i32 to vector<16xi32>
      %mul3A_844 = arith.muli %get3A_841, %mul3A_843 : vector<16xi32>
      %get3A_845 = arith.index_cast %add3A_839 : i32 to index
      %get3A_846 = tpu.vector_load %arg9[%get3A_845] {strides = array<i32>} : memref<7168xi32, #tpu.memory_space<vmem>>, vector<16xi32>,
      %add3A_847 = arith.addi %mul3A_844, %get3A_846 : vector<16xi32>
      tpu.vector_store_idx %arg7[%add3A_847], %broadcast_in_dim3A_3 : memref<64000xf32, #tpu.memory_space<vmem>>[vector<16xi32>], vector<16xf32>,
      %add3A_848 = arith.constant 128 : i32
      %add3A_849 = arith.addi %mul3A_38, %add3A_848 : i32
      %get3A_850 = arith.index_cast %add3A_849 : i32 to index
      %get3A_851 = tpu.vector_load %arg8[%get3A_850] {strides = array<i32>} : memref<7168xi32, #tpu.memory_space<vmem>>, vector<16xi32>,
      %mul3A_852 = arith.constant 64 : i32
      %mul3A_853 = vector.broadcast %mul3A_852 : i32 to vector<16xi32>
      %mul3A_854 = arith.muli %get3A_851, %mul3A_853 : vector<16xi32>
      %get3A_855 = arith.index_cast %add3A_849 : i32 to index
      %get3A_856 = tpu.vector_load %arg9[%get3A_855] {strides = array<i32>} : memref<7168xi32, #tpu.memory_space<vmem>>, vector<16xi32>,
      %add3A_857 = arith.addi %mul3A_854, %get3A_856 : vector<16xi32>
      tpu.vector_store_idx %arg7[%add3A_857], %broadcast_in_dim3A_3 : memref<64000xf32, #tpu.memory_space<vmem>>[vector<16xi32>], vector<16xf32>,
      %add3A_858 = arith.constant 144 : i32
      %add3A_859 = arith.addi %mul3A_38, %add3A_858 : i32
      %get3A_860 = arith.index_cast %add3A_859 : i32 to index
      %get3A_861 = tpu.vector_load %arg8[%get3A_860] {strides = array<i32>} : memref<7168xi32, #tpu.memory_space<vmem>>, vector<16xi32>,
      %mul3A_862 = arith.constant 64 : i32
      %mul3A_863 = vector.broadcast %mul3A_862 : i32 to vector<16xi32>
      %mul3A_864 = arith.muli %get3A_861, %mul3A_863 : vector<16xi32>
      %get3A_865 = arith.index_cast %add3A_859 : i32 to index
      %get3A_866 = tpu.vector_load %arg9[%get3A_865] {strides = array<i32>} : memref<7168xi32, #tpu.memory_space<vmem>>, vector<16xi32>,
      %add3A_867 = arith.addi %mul3A_864, %get3A_866 : vector<16xi32>
      tpu.vector_store_idx %arg7[%add3A_867], %broadcast_in_dim3A_3 : memref<64000xf32, #tpu.memory_space<vmem>>[vector<16xi32>], vector<16xf32>,
      %add3A_868 = arith.constant 160 : i32
      %add3A_869 = arith.addi %mul3A_38, %add3A_868 : i32
      %get3A_870 = arith.index_cast %add3A_869 : i32 to index
      %get3A_871 = tpu.vector_load %arg8[%get3A_870] {strides = array<i32>} : memref<7168xi32, #tpu.memory_space<vmem>>, vector<16xi32>,
      %mul3A_872 = arith.constant 64 : i32
      %mul3A_873 = vector.broadcast %mul3A_872 : i32 to vector<16xi32>
      %mul3A_874 = arith.muli %get3A_871, %mul3A_873 : vector<16xi32>
      %get3A_875 = arith.index_cast %add3A_869 : i32 to index
      %get3A_876 = tpu.vector_load %arg9[%get3A_875] {strides = array<i32>} : memref<7168xi32, #tpu.memory_space<vmem>>, vector<16xi32>,
      %add3A_877 = arith.addi %mul3A_874, %get3A_876 : vector<16xi32>
      tpu.vector_store_idx %arg7[%add3A_877], %broadcast_in_dim3A_3 : memref<64000xf32, #tpu.memory_space<vmem>>[vector<16xi32>], vector<16xf32>,
      %add3A_878 = arith.constant 176 : i32
      %add3A_879 = arith.addi %mul3A_38, %add3A_878 : i32
      %get3A_880 = arith.index_cast %add3A_879 : i32 to index
      %get3A_881 = tpu.vector_load %arg8[%get3A_880] {strides = array<i32>} : memref<7168xi32, #tpu.memory_space<vmem>>, vector<16xi32>,
      %mul3A_882 = arith.constant 64 : i32
      %mul3A_883 = vector.broadcast %mul3A_882 : i32 to vector<16xi32>
      %mul3A_884 = arith.muli %get3A_881, %mul3A_883 : vector<16xi32>
      %get3A_885 = arith.index_cast %add3A_879 : i32 to index
      %get3A_886 = tpu.vector_load %arg9[%get3A_885] {strides = array<i32>} : memref<7168xi32, #tpu.memory_space<vmem>>, vector<16xi32>,
      %add3A_887 = arith.addi %mul3A_884, %get3A_886 : vector<16xi32>
      tpu.vector_store_idx %arg7[%add3A_887], %broadcast_in_dim3A_3 : memref<64000xf32, #tpu.memory_space<vmem>>[vector<16xi32>], vector<16xf32>,
      %add3A_888 = arith.constant 192 : i32
      %add3A_889 = arith.addi %mul3A_38, %add3A_888 : i32
      %get3A_890 = arith.index_cast %add3A_889 : i32 to index
      %get3A_891 = tpu.vector_load %arg8[%get3A_890] {strides = array<i32>} : memref<7168xi32, #tpu.memory_space<vmem>>, vector<16xi32>,
      %mul3A_892 = arith.constant 64 : i32
      %mul3A_893 = vector.broadcast %mul3A_892 : i32 to vector<16xi32>
      %mul3A_894 = arith.muli %get3A_891, %mul3A_893 : vector<16xi32>
      %get3A_895 = arith.index_cast %add3A_889 : i32 to index
      %get3A_896 = tpu.vector_load %arg9[%get3A_895] {strides = array<i32>} : memref<7168xi32, #tpu.memory_space<vmem>>, vector<16xi32>,
      %add3A_897 = arith.addi %mul3A_894, %get3A_896 : vector<16xi32>
      tpu.vector_store_idx %arg7[%add3A_897], %broadcast_in_dim3A_3 : memref<64000xf32, #tpu.memory_space<vmem>>[vector<16xi32>], vector<16xf32>,
      %add3A_898 = arith.constant 208 : i32
      %add3A_899 = arith.addi %mul3A_38, %add3A_898 : i32
      %get3A_900 = arith.index_cast %add3A_899 : i32 to index
      %get3A_901 = tpu.vector_load %arg8[%get3A_900] {strides = array<i32>} : memref<7168xi32, #tpu.memory_space<vmem>>, vector<16xi32>,
      %mul3A_902 = arith.constant 64 : i32
      %mul3A_903 = vector.broadcast %mul3A_902 : i32 to vector<16xi32>
      %mul3A_904 = arith.muli %get3A_901, %mul3A_903 : vector<16xi32>
      %get3A_905 = arith.index_cast %add3A_899 : i32 to index
      %get3A_906 = tpu.vector_load %arg9[%get3A_905] {strides = array<i32>} : memref<7168xi32, #tpu.memory_space<vmem>>, vector<16xi32>,
      %add3A_907 = arith.addi %mul3A_904, %get3A_906 : vector<16xi32>
      tpu.vector_store_idx %arg7[%add3A_907], %broadcast_in_dim3A_3 : memref<64000xf32, #tpu.memory_space<vmem>>[vector<16xi32>], vector<16xf32>,
      %mul3A_908 = arith.constant 2 : i32
      %mul3A_909 = arith.muli %mul3A_908, %scan3A_33 : i32
      %mul3A_910 = arith.constant 2 : i32
      %mul3A_911 = arith.muli %mul3A_910, %scan3A_33 : i32
      %dma_start3A = arith.constant 0 : i32
      %dma_start3A_912 = tpu.memref_slice %arg12[%mul3A_909, %dma_start3A] : memref<64x112xf32, #tpu.memory_space<vmem>> -> memref<1x112xf32, #tpu.memory_space<vmem>>
      %dma_start3A_913 = tpu.memref_squeeze %dma_start3A_912 : memref<1x112xf32, #tpu.memory_space<vmem>> -> memref<112xf32, #tpu.memory_space<vmem>>
      %dma_start3A_914 = arith.constant 0 : i32
      %dma_start3A_915 = tpu.memref_slice %arg11[%mul3A_911, %dma_start3A_914] : memref<64x112xi32, #tpu.memory_space<vmem>> -> memref<1x112xi32, #tpu.memory_space<vmem>>
      %dma_start3A_916 = tpu.memref_squeeze %dma_start3A_915 : memref<1x112xi32, #tpu.memory_space<vmem>> -> memref<112xi32, #tpu.memory_space<vmem>>
      %dma_start3A_917 = arith.constant 0 : i32
      %dma_start3A_918 = tpu.memref_slice %arg5[%dma_start3A_917] : memref<65536000xf32, #tpu.memory_space<hbm>> -> memref<65536000xf32, #tpu.memory_space<hbm>>
      tpu.enqueue_indirect_dma source(%dma_start3A_913 : memref<112xf32, #tpu.memory_space<vmem>>) target(%dma_start3A_918 : memref<65536000xf32, #tpu.memory_space<hbm>>) offsets(%dma_start3A_916 : memref<112xi32, #tpu.memory_space<vmem>>) semaphore(%arg14 : memref<!tpu.dma_semaphore, #tpu.memory_space<semaphore_mem>>)
      %mul3A_919 = arith.constant 2 : i32
      %mul3A_920 = arith.muli %mul3A_919, %scan3A_33 : i32
      %add3A_921 = arith.constant 1 : i32
      %add3A_922 = arith.addi %mul3A_920, %add3A_921 : i32
      %mul3A_923 = arith.constant 2 : i32
      %mul3A_924 = arith.muli %mul3A_923, %scan3A_33 : i32
      %add3A_925 = arith.constant 1 : i32
      %add3A_926 = arith.addi %mul3A_924, %add3A_925 : i32
      %dma_start3A_927 = arith.constant 0 : i32
      %dma_start3A_928 = tpu.memref_slice %arg12[%add3A_922, %dma_start3A_927] : memref<64x112xf32, #tpu.memory_space<vmem>> -> memref<1x112xf32, #tpu.memory_space<vmem>>
      %dma_start3A_929 = tpu.memref_squeeze %dma_start3A_928 : memref<1x112xf32, #tpu.memory_space<vmem>> -> memref<112xf32, #tpu.memory_space<vmem>>
      %dma_start3A_930 = arith.constant 0 : i32
      %dma_start3A_931 = tpu.memref_slice %arg11[%add3A_926, %dma_start3A_930] : memref<64x112xi32, #tpu.memory_space<vmem>> -> memref<1x112xi32, #tpu.memory_space<vmem>>
      %dma_start3A_932 = tpu.memref_squeeze %dma_start3A_931 : memref<1x112xi32, #tpu.memory_space<vmem>> -> memref<112xi32, #tpu.memory_space<vmem>>
      %dma_start3A_933 = arith.constant 0 : i32
      %dma_start3A_934 = tpu.memref_slice %arg5[%dma_start3A_933] : memref<65536000xf32, #tpu.memory_space<hbm>> -> memref<65536000xf32, #tpu.memory_space<hbm>>
      tpu.enqueue_indirect_dma source(%dma_start3A_929 : memref<112xf32, #tpu.memory_space<vmem>>) target(%dma_start3A_934 : memref<65536000xf32, #tpu.memory_space<hbm>>) offsets(%dma_start3A_932 : memref<112xi32, #tpu.memory_space<vmem>>) semaphore(%arg14 : memref<!tpu.dma_semaphore, #tpu.memory_space<semaphore_mem>>)
    }
    %scan3A_27 = arith.constant 32 : i32
    %scan3A_28 = arith.constant 0 : i32
    %scan3A_29 = arith.constant 64 : i32
    %scan3A_30 = arith.addi %scan3A_28, %scan3A_29 : i32
    %scan3A_31 = arith.constant 1 : i32
    scf.for %scan3A_33 = %scan3A_28 to %scan3A_30 step %scan3A_31  : i32 {
      %dma_wait3A = arith.constant 0 : i32
      %dma_wait3A_34 = tpu.memref_slice %arg12[%scan3A_33, %dma_wait3A] : memref<64x112xf32, #tpu.memory_space<vmem>> -> memref<1x112xf32, #tpu.memory_space<vmem>>
      %dma_wait3A_35 = tpu.memref_squeeze %dma_wait3A_34 : memref<1x112xf32, #tpu.memory_space<vmem>> -> memref<112xf32, #tpu.memory_space<vmem>>
      %dma_wait3A_36 = arith.constant 0 : i32
      %dma_wait3A_37 = tpu.memref_slice %arg11[%scan3A_33, %dma_wait3A_36] : memref<64x112xi32, #tpu.memory_space<vmem>> -> memref<1x112xi32, #tpu.memory_space<vmem>>
      %dma_wait3A_38 = tpu.memref_squeeze %dma_wait3A_37 : memref<1x112xi32, #tpu.memory_space<vmem>> -> memref<112xi32, #tpu.memory_space<vmem>>
      %dma_wait3A_39 = arith.constant 0 : i32
      %dma_wait3A_40 = tpu.memref_slice %arg5[%dma_wait3A_39] : memref<65536000xf32, #tpu.memory_space<hbm>> -> memref<65536000xf32, #tpu.memory_space<hbm>>
      tpu.wait_indirect_dma semaphore(%arg14 : memref<!tpu.dma_semaphore, #tpu.memory_space<semaphore_mem>>) src(%dma_wait3A_35 : memref<112xf32, #tpu.memory_space<vmem>>) dst(%dma_wait3A_40 : memref<65536000xf32, #tpu.memory_space<hbm>>)
    }
    %scan3A_32 = arith.constant 64 : i32
    return
  }
}

module attributes {stable_mosaic.version = 14 : i64} {
  func.func @_tc_zero_body(%arg0: i32, %arg1: memref<4096x128xf32, #tpu.memory_space<vmem>>) attributes {dimension_semantics = [#tpu.dimension_semantics<arbitrary>], iteration_bounds = array<i64: 125>, scalar_prefetch = 0 : i64, scratch_operands = 0 : i64, tpu.core_type = #tpu.core_type<tc>, window_params = [{transform_indices = @transform_0, window_bounds = array<i64: 4096, 128>}]} {
    %broadcast_in_dim3A = arith.constant 0.000000e+00 : f32
    %broadcast_in_dim3A_0 = vector.broadcast %broadcast_in_dim3A : f32 to vector<4096x128xf32>
    %swap3A = arith.constant 0 : index
    %swap3A_1 = arith.constant 0 : index
    %swap3A_2 = vector.load %arg1[%swap3A, %swap3A_1] : memref<4096x128xf32, #tpu.memory_space<vmem>>, vector<4096x128xf32>
    tpu.vector_store %arg1[%swap3A, %swap3A_1], %broadcast_in_dim3A_0 {strides = array<i32>} : memref<4096x128xf32, #tpu.memory_space<vmem>>, vector<4096x128xf32>,
    return
  }
  func.func @transform_0(%arg0: i32) -> (i32, i32) {
    %c0_i32 = arith.constant 0 : i32
    %c0_i32_0 = arith.constant 0 : i32
    return %arg0, %c0_i32 : i32, i32
  }
}

</mosaic_0001>

<sc_bundles>
// kernel: kernel.4.cloned.1.call-start
scs
__scs_entry_jumppad:
0x0: {  	(pc) =	sbr.rel $0x88, $3  }
0x1: {  	(tag) =	ssettag $0x0;
	lr =	simm.s32 $0x1  }
0x2: {  	[smem:$0x3F9E] =	sst lr;
	_ =	strace $0xD0000000  }
0x3: {  	_ = 	snop  }
0x4: {  	_ = 	snop  }
0x5: {  	_ = 	snop  }
0x6: {  	_ = 	snop  }
0x7: {  	_ = 	snop  }
__scs_overlays_trampoline_lowered:
0x8: {  	[smem:$0x3FAD] =	sst s0  }
0x9: {  	[smem:$0x3FAE] =	sst s1  }
0xa: {  	[smem:$0x3FAF] =	sst s2  }
0xb: {  	[smem:$0x3FB0] =	sst s3  }
0xc: {  	[smem:$0x3FB1] =	sst s4  }
0xd: {  	[smem:$0x3FB2] =	sst s5  }
0xe: {  	[smem:$0x3FB3] =	sst s6  }
0xf: {  	[smem:$0x3FB4] =	sst s7  }
0x10: {  	[smem:$0x3FB5] =	sst s8  }
0x11: {  	[smem:$0x3FB6] =	sst s9;
	s0 =	simm.s32 @!p0 $0x0  }
0x12: {  	s1 =	sld [smem:$0x3F9C];
	s0 =	simm.s32 @p0 $0x1  }
0x13: {  	[smem:$0x3FB7] =	sst s0;
	s0 =	simm.s32 @!p1 $0x0  }
0x14: {  	s2 =	sld [smem:$0x3F9B];
	s0 =	simm.s32 @p1 $0x1  }
0x15: {  	[smem:$0x3FB8] =	sst s0;
	s0 =	simm.s32 @!p2 $0x0  }
0x16: {  	s3 =	sld [smem:$0x3FDB];
	s0 =	simm.s32 @p2 $0x1  }
0x17: {  	s4 =	simm.s32 $0x1BF5;
	[smem:$0x3FBA] =	sst s0  }
0x18: {  	s0 =	sld [smem:$0x3F9D];
	_ =	swait.ge [sflag:s4], $0x0  }
0x19: {  	s7 =	sld [smem:$0x3F9E]  }
0x1a: {  	s8 =	sadd.s32 $0xFFFFE003, lr  }
0x1b: {  	s9 =	sadd.s32 $0xFFFFFEF7, lr;
	s5 =	simm.s32 $0xFFFFFFFF;
	p2 =	slt.u32 s8, $0xFFFFF086  }
0x1c: {  	p1 =	slt.u32 s9, $0xF7A;
	s5 =	simm.s32 @!p2 $0x0  }
0x1d: {  	s5 =	simm.s32 @p1 $0x1;
	p0 =	seq.s32 s7, s2  }
0x1e: {  	s7 =	smul.u32 @!p0 $0xF7A, s2;
	p2 =	seq.s32 @!p0 s5, $0x0  }
0x1f: {  	s9 =	smul.u32 $0xF7A, s1;
	s8 =	simm.s32 @!p0 $0x1BF5;
	p2 =	por !p2, p0  }
0x20: {  	[sflag:s8] =	ssyncset.s32 @!p0 $0xFFFFF086;
	s6 =	sadd.s32 @!p0 s3, s7;
	s7 =	simm.s32 @!p0 $0x108  }
0x21: {  	s3 =	sadd.s32 s3, s9;
	s6 =	sadd.s32 @!p0 $0x88, s6;
	s7 =	simm.s32 @p2 $0x1082  }
0x22: {  	[simem:s7], [sflag:s8] =	dma.local @!p0 [hbm:s6], $0xF7A  }
0x23: {  	s9 =	sor.u32 $0xD0000000, s2;
	s6 =	simm.s32 $0x108;
	_ =	swait.ge @!p0 [sflag:s8], $0x0  }
0x24: {  	s3 =	sadd.s32 $0x88, s3;
	s6 =	simm.s32 @!p1 $0x1082;
	[sflag:s4] =	ssyncset.s32 $0xFFFFF086  }
0x25: {  	[simem:s6], [sflag:s4] =	dma.local [hbm:s3], $0xF7A  }
0x26: {  	[smem:$0x3F9E] =	sst s1;
	(tag) =	ssettag s2;
	_ =	strace s9  }
0x27: {  	s1 =	sld [smem:$0x3FAE]  }
0x28: {  	s2 =	sld [smem:$0x3FAF]  }
0x29: {  	s4 =	sld [smem:$0x3FB1]  }
0x2a: {  	p0 =	seq.s32 s5, $0x0;
	s5 =	sld [smem:$0x3FB2]  }
0x2b: {  	s6 =	sld [smem:$0x3FB3]  }
0x2c: {  	s7 =	sld [smem:$0x3FB4]  }
0x2d: {  	s3 =	simm.s32 $0x108;
	s8 =	sld [smem:$0x3FB5]  }
0x2e: {  	s3 =	simm.s32 @!p0 $0x1082;
	s9 =	sld [smem:$0x3FB6]  }
0x2f: {  	lr =	sadd.s32 s0, s3;
	s0 =	sld [smem:$0x3FAD]  }
0x30: {  	s3 =	sld [smem:$0x3FB0]  }
0x31: {  	[smem:$0x3FB9] =	sst s10  }
0x32: {  	s10 =	sld [smem:$0x3FB7];
	_ =	sdelay $0x3  }
0x33: {  	p0 =	seq.s32 s10, $0x1;
	s10 =	sld [smem:$0x3FB9];
	_ =	sdelay $0x3  }
0x34: {  	[smem:$0x3FB9] =	sst s10  }
0x35: {  	s10 =	sld [smem:$0x3FB8];
	_ =	sdelay $0x3  }
0x36: {  	p1 =	seq.s32 s10, $0x1;
	s10 =	sld [smem:$0x3FB9];
	_ =	sdelay $0x3  }
0x37: {  	[smem:$0x3FB9] =	sst s10  }
0x38: {  	s10 =	sld [smem:$0x3FBA]  }
0x39: {  	_ = 	snop;
	(pc) =	sbr.ind lr, $3  }
0x3a: {  	_ = 	snop  }
0x3b: {  	_ = 	snop  }
0x3c: {  	p2 =	seq.s32 s10, $0x1;
	s10 =	sld [smem:$0x3FB9]  }
0x3d: {  	_ =	shalt  }
0x3e: {  	_ =	shalt  }
0x3f: {  	_ =	shalt  }
0x40: {  	_ =	shalt  }
0x41: {  	_ =	shalt  }
0x42: {  	_ =	shalt  }
0x43: {  	_ =	shalt  }
0x44: {  	_ =	shalt  }
0x45: {  	_ =	shalt  }
0x46: {  	_ =	shalt  }
0x47: {  	_ =	shalt  }
0x48: {  	_ =	shalt  }
0x49: {  	_ =	shalt  }
0x4a: {  	_ =	shalt  }
0x4b: {  	_ =	shalt  }
0x4c: {  	_ =	shalt  }
0x4d: {  	_ =	shalt  }
0x4e: {  	_ =	shalt  }
0x4f: {  	_ =	shalt  }
0x50: {  	_ =	shalt  }
0x51: {  	_ =	shalt  }
0x52: {  	_ =	shalt  }
0x53: {  	_ =	shalt  }
0x54: {  	_ =	shalt  }
0x55: {  	_ =	shalt  }
0x56: {  	_ =	shalt  }
0x57: {  	_ =	shalt  }
0x58: {  	_ =	shalt  }
0x59: {  	_ =	shalt  }
0x5a: {  	_ =	shalt  }
0x5b: {  	_ =	shalt  }
0x5c: {  	_ =	shalt  }
0x5d: {  	_ =	shalt  }
0x5e: {  	_ =	shalt  }
0x5f: {  	_ =	shalt  }
0x60: {  	_ =	shalt  }
0x61: {  	_ =	shalt  }
0x62: {  	_ =	shalt  }
0x63: {  	_ =	shalt  }
0x64: {  	_ =	shalt  }
0x65: {  	_ =	shalt  }
0x66: {  	_ =	shalt  }
0x67: {  	_ =	shalt  }
0x68: {  	_ =	shalt  }
0x69: {  	_ =	shalt  }
0x6a: {  	_ =	shalt  }
0x6b: {  	_ =	shalt  }
0x6c: {  	_ =	shalt  }
0x6d: {  	_ =	shalt  }
0x6e: {  	_ =	shalt  }
0x6f: {  	_ =	shalt  }
0x70: {  	_ =	shalt  }
0x71: {  	_ =	shalt  }
0x72: {  	_ =	shalt  }
0x73: {  	_ =	shalt  }
0x74: {  	_ =	shalt  }
0x75: {  	_ =	shalt  }
0x76: {  	_ =	shalt  }
0x77: {  	_ =	shalt  }
0x78: {  	_ =	shalt  }
0x79: {  	_ =	shalt  }
0x7a: {  	_ =	shalt  }
0x7b: {  	_ =	shalt  }
0x7c: {  	_ =	shalt  }
0x7d: {  	_ =	shalt  }
0x7e: {  	_ =	shalt  }
0x7f: {  	_ =	shalt  }
0x80: {  	_ =	shalt  }
0x81: {  	_ =	shalt  }
0x82: {  	_ =	shalt  }
0x83: {  	_ =	shalt  }
0x84: {  	_ =	shalt  }
0x85: {  	_ =	shalt  }
0x86: {  	_ =	shalt  }
0x87: {  	_ =	shalt  }
.Lfunc_end0:
.L_simem_size_0:
called_computation_lowered:
.L_overlay_start_0:
0x88: {  	s2 =	sld [smem:$0x3FD9]  }
0x89: {  	s3 =	sld [smem:$0x3FFE];
	_ =	sdelay $0x1  }
0x8a: {  	s1 =	srdreg.scid  }
0x8b: {  	s0 =	sand.u32 $0x1, s1  }
0x8c: {  	s17 =	sshll.u32 s0, $0xA;
	s2 =	sadd.s32 s3, s2  }
0x8d: {  	s2 =	sadd.s32 s2, s17  }
0x8e: {  	[smem:$0x3FC5] =	sst s2  }
0x8f: {  	_ = 	snop  }
0x90: {  	s2 =	sld [smem:$0x3FD0];
	(tm) =	ssettm $0x1  }
0x91: {  	s18 =	sld [smem:$0x3FFB];
	_ =	sdelay $0x3  }
0x92: {  	_ =	strace s18  }
0x93: {  	s3 =	sld [smem:$0x3FFC];
	_ =	sdelay $0x3  }
0x94: {  	_ =	strace s3  }
0x95: {  	s3 =	sld [smem:$0x3FFD];
	_ =	sdelay $0x3  }
0x96: {  	_ =	strace s3  }
0x97: {  	_ =	strace $0x8FFFFFFF  }
0x98: {  	s19 =	sld [smem:$0x3FDB];
	_ =	sdelay $0x1  }
0x99: {  	s4 =	simm.s32 $_scs_section_size  }
0x9a: {  	s5 =	simm.s32 $_size__tile_overlayer_lowered;
	s6 =	simm.s32 $_tile_overlayer_lowered  }
0x9b: {  	s22 =	simm.s32 $0x1BFF;
	s21 =	sshll.u32 s6, $0x1;
	s3 =	sadd.s32 s4, s19  }
0x9c: {  	s7 =	simm.s32 $0x0;
	s20 =	sshll.u32 s5, $0x1;
	s5 =	sadd.s32 s21, s3  }
0x9d: {  	[timem:s7], [sflag:s22] =	dma.local [hbm:s5], s20  }
0x9e: {  	_ =	swait.ge [sflag:s22], s20  }
0x9f: {  	s4 =	ssub.s32 $0x0, s20;
	[sflag:s22] =	ssyncset.done $0x0  }
0xa0: {  	[sflag:s22] =	ssyncadd.s32 s4;
	_ =	sdelay $0x1  }
0xa1: {  	s23 =	simm.s32 $0x1B8B  }
0xa2: {  	_ =	swait.ge [sflag:s23], $0x1  }
0xa3: {  	[sflag:s23] =	ssyncset.done $0x0  }
0xa4: {  	s25 =	simm.s32 $0x1B8E;
	s24 =	sld [smem:$0x3FFE];
	[sflag:s23] =	ssyncadd.s32 $0xFFFFFFFF  }
0xa5: {  	s26 =	simm.s32 $execute0_lowered;
	[smem:$0x3FD2] =	sst s25  }
0xa6: {  	s5 =	sshll.u32 s26, $0x1;
	_ =	strace $0x80000046;
	[dreg:$0x1] =	wrdreg $0xFFFFFFFF  }
0xa7: {  	s28 =	simm.s32 $_size_execute0_lowered;
	s3 =	sadd.s32 s3, s5;
	[dreg:$0x0] =	wrdreg $0x0  }
0xa8: {  	s5 =	sshll.u32 s28, $0x1;
	[dreg:$0x2] =	wrdreg s3  }
0xa9: {  	[dreg:$0x3] =	wrdreg s5  }
0xaa: {  	[dreg:$0x4] =	wrdreg $0xC0  }
0xab: {  	_ =	task [dreg:s7], $0x5FFFF  }
0xac: {  	[dreg:$0x1] =	wrdreg $0xFFFFFFFF  }
0xad: {  	[dreg:$0x0] =	wrdreg $0x60  }
0xae: {  	[dreg:$0x2] =	wrdreg s24  }
0xaf: {  	[dreg:$0x3] =	wrdreg s2  }
0xb0: {  	[dreg:$0x4] =	wrdreg $0x9  }
0xb1: {  	_ =	task.clear_ibuf [dreg:s7], $0x5FFFF;
	_ =	strace $0x90000046  }
0xb2: {  	s29 =	simm.s32 $0x9;
	_ =	strace $0x80000048  }
0xb3: {  	_ =	swait.ge [sflag:s29], $0x1  }
0xb4: {  	[sflag:s29] =	ssyncadd.s32 $0xFFFFFFFF  }
0xb5: {  	_ =	strace $0x90000048  }
0xb6: {  	_ =	sfence  }
0xb7: {  	s30 =	sld [smem:$0x0];
	_ =	sdelay $0x2  }
0xb8: {  	s31 =	sshll.u32 s1, $0xD;
	s1 =	sshrl.u32 s1, $0x2  }
0xb9: {  	s3 =	sand.u32 $0x4000, s31;
	s1 =	sadd.s32 s1, s30  }
0xba: {  	s0 =	sor.u32 s3, s0;
	s1 =	sshll.u32 s1, $0x11  }
0xbb: {  	s0 =	sor.u32 s1, s0  }
0xbc: {  	s0 =	sadd.s32 $0x8F2B, s0  }
0xbd: {  	[sflag:s0] =	ssyncadd.remote.s32 $0x1  }
0xbe: {  	_ =	sfence.sel $0xFFFF  }
0xbf: {  	[dreg:$0x0] =	wrdreg $0xFFFFFFFF;
	(pc) =	sbr.abs _section_cstart, $3  }
0xc0: {  	[dreg:$0x1] =	wrdreg $0xFFFFFFFF  }
0xc1: {  	_ =	task.clear_ibuf [dreg:s7], $0x2FFFF;
	_ =	strace $0x9FFFFFFF  }
0xc2: {  	(tm) =	ssettm $0x7FFFFFFF  }
0xc3: {  	_ =	shalt  }
tec
execute0_lowered:
.L_overlay_start_1:
0x0: {  	(tag) =	ssettag $0x1  }
0x1: {  	s4 =	rddreg [dreg:$0x0]  }
0x2: {  	s2 =	rddreg [dreg:$0x1]  }
0x3: {  	s0 =	rddreg [dreg:$0x2]  }
0x4: {  	s1 =	stileid.u32;
	s3 =	simm.s32 $0x0;
	s6 =	srdreg.scid  }
0x5: {  	s11 =	simm.s32 $0x2;
	s12 =	simm.s32 $0x0;
	s5 =	smul.u32 $0x640, s1  }
0x6: {  	[smem:$0x7FF] =	sst s3;
	s6 =	sand.u32 $0x1, s6;
	s7 =	sshll.u32 s1, $0x6  }
0x7: {  	s10 =	sshll.u32 s1, $0x9;
	_ =	strace $0x80000047;
	s30 =	ssub.s32 $0x2, s6  }
0x8: {  	s8 =	sshll.u32 s6, $0x5;
	s6 =	smul.u32 $0x320, s6;
	s9 =	sshrl.u32 s30, $0x1  }
0x9: {  	s4 =	sadd.s32 s5, s4;
	s7 =	sor.u32 s8, s7;
	s5 =	ssub.s32 s30, s9  }
0xa: {  	s8 =	sor.u32 s7, s10;
	s31 =	sadd.s32 s6, s4;
	s9 =	simm.s32 $0x1  }
0xb: {  	s10 =	simm.s32 $0x70;
	s4 =	smax.u32 s5, $0x1;
	s5 =	sadd.s32 $0x6E00, s31  }
0xc: {  	v0 =	vimm.f32 $0.0e+00;
	v1 =	vimm.s32 $0x0;
	s6 =	sadd.s32 $0xD200, s31;
	s7 =	sadd.s32 $0xA00, s31;
	s8 =	sand.u32 $0x1C60, s8  }
.LBB2_1:
0xd: {  	s14 =	simm.s32 $0x100;
	s13 =	simm.s32 $0x0  }
.LBB2_2:
0xe: {  	p0 =	sne.s32 s14, $0x3E700;
	[tilespmem:s13+$0x30] =	vst v0;
	s15 =	smov.u32 s14;
	s14 =	sadd.s32 $0x100, s14  }
.Ltmp0:
0xf: {  	[tilespmem:s13+$0x20] =	vst v0;
	(pc) =	sbr.rel @p0 .LBB2_2-.Ltmp0, $3  }
0x10: {  	[tilespmem:s13+$0x0] =	vst v0  }
0x11: {  	[tilespmem:s13+$0x10] =	vst v0;
	_ =	sdelay $0x1  }
0x12: {  	s13 =	sshra.s32 s15, $0x2  }
0x13: {  	[tilespmem:s13+$0x30] =	vst v0  }
0x14: {  	[tilespmem:s13+$0x20] =	vst v0  }
0x15: {  	[tilespmem:s13+$0x0] =	vst v0  }
0x16: {  	[tilespmem:s13+$0x10] =	vst v0;
	s13 =	simm.s32 $0x40;
	s14 =	simm.s32 $0x0  }
.LBB2_4:
0x17: {  	p0 =	sne.s32 s13, $0x6FC0;
	[tilespmem:s14+$0x13200] =	vst v0;
	s15 =	smov.u32 s13;
	s13 =	sadd.s32 $0x40, s13  }
.Ltmp1:
0x18: {  	[tilespmem:s14+$0xFA00] =	vst v1;
	(pc) =	sbr.rel @p0 .LBB2_4-.Ltmp1, $2  }
0x19: {  	[tilespmem:s14+$0x11600] =	vst v1;
	_ =	sdelay $0x2  }
0x1a: {  	s14 =	sshra.s32 s15, $0x2  }
0x1b: {  	[tilespmem:s14+$0x13200] =	vst v0  }
0x1c: {  	[tilespmem:s14+$0xFA00] =	vst v1  }
0x1d: {  	[tilespmem:s14+$0x11600] =	vst v1;
	s13 =	simm.s32 $0xFA00;
	s30 =	simm.s32 $0x11600  }
0x1e: {  	[tilespmem:s13], [sflag:$0x1] =	stream.linear.gather [hbm4b:s5+s3], $0xC8, $0x38;
	[tilespmem:$0x18E00] =	vst v63  }
0x1f: {  	s31 =	simm.s32 $0x13200;
	s14 =	simm.s32 $0xE0;
	s17 =	simm.s32 $0x700  }
0x20: {  	[tilespmem:s30], [sflag:$0x1] =	stream.linear.gather [hbm4b:s6+s3], $0xC8, $0x38;
	[tilespmem:$0x18E00] =	vst v63  }
0x21: {  	s16 =	smov.u32 s5;
	s15 =	smov.u32 s6;
	s13 =	smov.u32 s7  }
0x22: {  	[tilespmem:s31], [sflag:$0x1] =	stream.linear.gather [hbm4b:s7+s3], $0xC8, $0x38;
	[tilespmem:$0x18E00] =	vst v63  }
.LBB2_6:
0x23: {  	p0 =	sne.s32 s17, $0x6C80;
	s18 =	sadd.s32 $0xFA00, s14;
	s16 =	sadd.s32 $0x19, s16  }
0x24: {  	[tilespmem:s18], [sflag:$0x1] =	stream.linear.gather [hbm4b:s16+s3], $0xC8, $0x38;
	[tilespmem:$0x18E00] =	vst v63  }
.Ltmp2:
0x25: {  	s15 =	sadd.s32 $0x19, s15;
	s18 =	sadd.s32 $0x11600, s14;
	(pc) =	sbr.rel @p0 .LBB2_6-.Ltmp2, $4  }
0x26: {  	[tilespmem:s18], [sflag:$0x1] =	stream.linear.gather [hbm4b:s15+s3], $0xC8, $0x38;
	[tilespmem:$0x18E00] =	vst v63  }
0x27: {  	s13 =	sadd.s32 $0x19, s13;
	s14 =	sadd.s32 $0x13200, s14  }
0x28: {  	[tilespmem:s14], [sflag:$0x1] =	stream.linear.gather [hbm4b:s13+s3], $0xC8, $0x38;
	[tilespmem:$0x18E00] =	vst v63  }
0x29: {  	s14 =	sshra.s32 s17, $0x2;
	s17 =	sadd.s32 $0x380, s17  }
0x2a: {  	s17 =	sadd.s32 $0xFA00, s14;
	s16 =	sadd.s32 $0x19, s16  }
0x2b: {  	[tilespmem:s17], [sflag:$0x1] =	stream.linear.gather [hbm4b:s16+s3], $0xC8, $0x38;
	[tilespmem:$0x18E00] =	vst v63  }
0x2c: {  	s30 =	sadd.s32 $0x11600, s14;
	s15 =	sadd.s32 $0x19, s15  }
0x2d: {  	[tilespmem:s30], [sflag:$0x1] =	stream.linear.gather [hbm4b:s15+s3], $0xC8, $0x38;
	[tilespmem:$0x18E00] =	vst v63  }
0x2e: {  	s31 =	sadd.s32 $0x13200, s14;
	s13 =	sadd.s32 $0x19, s13  }
0x2f: {  	[tilespmem:s31], [sflag:$0x1] =	stream.linear.gather [hbm4b:s13+s3], $0xC8, $0x38;
	[tilespmem:$0x18E00] =	vst v63  }
0x30: {  	_ =	swait.ge [sflag:s9], $0xC8  }
0x31: {  	[sflag:s9] =	ssyncset.done $0x0  }
0x32: {  	[sflag:s9] =	ssyncadd.s32 $0xFFFFFF38  }
0x33: {  	_ =	swait.ge [sflag:s9], $0xC8  }
0x34: {  	[sflag:s9] =	ssyncset.done $0x0  }
0x35: {  	[sflag:s9] =	ssyncadd.s32 $0xFFFFFF38  }
0x36: {  	_ =	swait.ge [sflag:s9], $0xC8  }
0x37: {  	s13 =	simm.s32 $0x1F;
	[sflag:s9] =	ssyncset.done $0x0  }
.LBB2_8:
0x38: {  	p0 =	sne.s32 s13, $0x1;
	s13 =	sadd.s32 $0xFFFFFFFF, s13;
	[sflag:s9] =	ssyncadd.s32 $0xFFFFFF38  }
0x39: {  	_ =	swait.ge [sflag:s9], $0xC8  }
0x3a: {  	[sflag:s9] =	ssyncset.done $0x0  }
0x3b: {  	[sflag:s9] =	ssyncadd.s32 $0xFFFFFF38  }
.Ltmp3:
0x3c: {  	_ =	swait.ge [sflag:s9], $0xC8;
	(pc) =	sbr.rel @p0 .LBB2_8-.Ltmp3, $4  }
0x3d: {  	[sflag:s9] =	ssyncset.done $0x0  }
0x3e: {  	[sflag:s9] =	ssyncadd.s32 $0xFFFFFF38  }
0x3f: {  	_ =	swait.ge [sflag:s9], $0xC8  }
0x40: {  	[sflag:s9] =	ssyncset.done $0x0  }
0x41: {  	[sflag:s9] =	ssyncadd.s32 $0xFFFFFF38  }
0x42: {  	s13 =	simm.s32 $0x13270;
	s14 =	simm.s32 $0x11670;
	s15 =	simm.s32 $0xFA70  }
0x43: {  	s16 =	simm.s32 $0x0;
	s17 =	smov.u32 s8;
	s18 =	simm.s32 $0x0  }
.LBB2_10:
0x44: {  	v2 =	vld [tilespmem:s15+$0xFFFFFF90]  }
0x45: {  	v3 =	vld [tilespmem:s14+$0xFFFFFF90];
	_ =	sdelay $0x3  }
0x46: {  	v2 =	vshll.u32 v2, $0x6  }
0x47: {  	v2 =	vadd.s32 v3, v2;
	v3 =	vld [tilespmem:s13+$0xFFFFFF90];
	_ =	sdelay $0x4  }
0x48: {  	[tilespmem:v2+s3+$0x0] =	vst.idx.add.f32.msk $0xffff, v3  }
0x49: {  	v2 =	vld [tilespmem:s15+$0xFFFFFFA0]  }
0x4a: {  	v3 =	vld [tilespmem:s14+$0xFFFFFFA0];
	_ =	sdelay $0x3  }
0x4b: {  	v2 =	vshll.u32 v2, $0x6  }
0x4c: {  	v2 =	vadd.s32 v3, v2;
	v3 =	vld [tilespmem:s13+$0xFFFFFFA0];
	_ =	sdelay $0x4  }
0x4d: {  	[tilespmem:v2+s3+$0x0] =	vst.idx.add.f32.msk $0xffff, v3  }
0x4e: {  	v2 =	vld [tilespmem:s15+$0xFFFFFFB0]  }
0x4f: {  	v3 =	vld [tilespmem:s14+$0xFFFFFFB0];
	_ =	sdelay $0x3  }
0x50: {  	v2 =	vshll.u32 v2, $0x6  }
0x51: {  	v2 =	vadd.s32 v3, v2;
	v3 =	vld [tilespmem:s13+$0xFFFFFFB0];
	_ =	sdelay $0x4  }
0x52: {  	[tilespmem:v2+s3+$0x0] =	vst.idx.add.f32.msk $0xffff, v3  }
0x53: {  	v2 =	vld [tilespmem:s15+$0xFFFFFFC0]  }
0x54: {  	v3 =	vld [tilespmem:s14+$0xFFFFFFC0];
	_ =	sdelay $0x3  }
0x55: {  	v2 =	vshll.u32 v2, $0x6  }
0x56: {  	v2 =	vadd.s32 v3, v2;
	v3 =	vld [tilespmem:s13+$0xFFFFFFC0];
	_ =	sdelay $0x4  }
0x57: {  	[tilespmem:v2+s3+$0x0] =	vst.idx.add.f32.msk $0xffff, v3  }
0x58: {  	v2 =	vld [tilespmem:s15+$0xFFFFFFD0]  }
0x59: {  	v3 =	vld [tilespmem:s14+$0xFFFFFFD0];
	_ =	sdelay $0x3  }
0x5a: {  	v2 =	vshll.u32 v2, $0x6  }
0x5b: {  	v2 =	vadd.s32 v3, v2;
	v3 =	vld [tilespmem:s13+$0xFFFFFFD0];
	_ =	sdelay $0x4  }
0x5c: {  	[tilespmem:v2+s3+$0x0] =	vst.idx.add.f32.msk $0xffff, v3  }
0x5d: {  	v2 =	vld [tilespmem:s15+$0xFFFFFFE0]  }
0x5e: {  	v3 =	vld [tilespmem:s14+$0xFFFFFFE0];
	_ =	sdelay $0x3  }
0x5f: {  	v2 =	vshll.u32 v2, $0x6  }
0x60: {  	v2 =	vadd.s32 v3, v2;
	v3 =	vld [tilespmem:s13+$0xFFFFFFE0];
	_ =	sdelay $0x4  }
0x61: {  	[tilespmem:v2+s3+$0x0] =	vst.idx.add.f32.msk $0xffff, v3  }
0x62: {  	v2 =	vld [tilespmem:s15+$0xFFFFFFF0]  }
0x63: {  	v3 =	vld [tilespmem:s14+$0xFFFFFFF0];
	_ =	sdelay $0x3  }
0x64: {  	v2 =	vshll.u32 v2, $0x6  }
0x65: {  	v2 =	vadd.s32 v3, v2;
	v3 =	vld [tilespmem:s13+$0xFFFFFFF0];
	_ =	sdelay $0x4  }
0x66: {  	[tilespmem:v2+s3+$0x0] =	vst.idx.add.f32.msk $0xffff, v3  }
0x67: {  	v2 =	vld [tilespmem:s15+$0x0]  }
0x68: {  	v3 =	vld [tilespmem:s14+$0x0];
	_ =	sdelay $0x3  }
0x69: {  	v2 =	vshll.u32 v2, $0x6  }
0x6a: {  	v2 =	vadd.s32 v3, v2;
	v3 =	vld [tilespmem:s13+$0x0];
	_ =	sdelay $0x4  }
0x6b: {  	s19 =	sand.u32 $0x1FE0, s16;
	[tilespmem:v2+s3+$0x0] =	vst.idx.add.f32.msk $0xffff, v3  }
0x6c: {  	v2 =	vld [tilespmem:s19+$0xFA80]  }
0x6d: {  	v3 =	vld [tilespmem:s19+$0x11680];
	_ =	sdelay $0x3  }
0x6e: {  	v2 =	vshll.u32 v2, $0x6  }
0x6f: {  	v2 =	vadd.s32 v3, v2;
	v3 =	vld [tilespmem:s19+$0x13280];
	_ =	sdelay $0x4  }
0x70: {  	[tilespmem:v2+s3+$0x0] =	vst.idx.add.f32.msk $0xffff, v3  }
0x71: {  	v2 =	vld [tilespmem:s15+$0x20]  }
0x72: {  	v3 =	vld [tilespmem:s14+$0x20];
	_ =	sdelay $0x3  }
0x73: {  	v2 =	vshll.u32 v2, $0x6  }
0x74: {  	v2 =	vadd.s32 v3, v2;
	v3 =	vld [tilespmem:s13+$0x20];
	_ =	sdelay $0x4  }
0x75: {  	[tilespmem:v2+s3+$0x0] =	vst.idx.add.f32.msk $0xffff, v3  }
0x76: {  	v2 =	vld [tilespmem:s15+$0x30]  }
0x77: {  	v3 =	vld [tilespmem:s14+$0x30];
	_ =	sdelay $0x3  }
0x78: {  	v2 =	vshll.u32 v2, $0x6  }
0x79: {  	v2 =	vadd.s32 v3, v2;
	v3 =	vld [tilespmem:s13+$0x30];
	_ =	sdelay $0x4  }
0x7a: {  	[tilespmem:v2+s3+$0x0] =	vst.idx.add.f32.msk $0xffff, v3  }
0x7b: {  	v2 =	vld [tilespmem:s15+$0x40]  }
0x7c: {  	v3 =	vld [tilespmem:s14+$0x40];
	_ =	sdelay $0x3  }
0x7d: {  	v2 =	vshll.u32 v2, $0x6  }
0x7e: {  	v2 =	vadd.s32 v3, v2;
	v3 =	vld [tilespmem:s13+$0x40];
	_ =	sdelay $0x4  }
0x7f: {  	[tilespmem:v2+s3+$0x0] =	vst.idx.add.f32.msk $0xffff, v3  }
0x80: {  	v2 =	vld [tilespmem:s15+$0x50]  }
0x81: {  	v3 =	vld [tilespmem:s14+$0x50];
	_ =	sdelay $0x3  }
0x82: {  	v2 =	vshll.u32 v2, $0x6  }
0x83: {  	v2 =	vadd.s32 v3, v2;
	v3 =	vld [tilespmem:s13+$0x50];
	_ =	sdelay $0x4  }
0x84: {  	[tilespmem:v2+s3+$0x0] =	vst.idx.add.f32.msk $0xffff, v3  }
0x85: {  	v2 =	vld [tilespmem:s15+$0x60]  }
0x86: {  	v3 =	vld [tilespmem:s14+$0x60];
	_ =	sdelay $0x3  }
0x87: {  	v2 =	vshll.u32 v2, $0x6  }
0x88: {  	v2 =	vadd.s32 v3, v2;
	v3 =	vld [tilespmem:s13+$0x60];
	_ =	sdelay $0x4  }
0x89: {  	[tilespmem:v2+s3+$0x0] =	vst.idx.add.f32.msk $0xffff, v3  }
0x8a: {  	v2 =	vld [tilespmem:s15+$0xFFFFFF90]  }
0x8b: {  	v3 =	vld [tilespmem:s14+$0xFFFFFF90];
	_ =	sdelay $0x3  }
0x8c: {  	v4 =	vshll.u32 v2, $0x6  }
0x8d: {  	v4 =	vadd.s32 v3, v4;
	_ =	sdelay $0x3  }
0x8e: {  	v5 =	vshll.u32 v3, $0xA  }
0x8f: {  	v2 =	vshll.u32 v2, $0x10;
	v5 =	vand.u32 $0xFFFFE000, v5;
	v3 =	vshll.u32 v3, $0x7;
	v4 =	vld.idx.msk [tilespmem:v4+s3+$0x0], $0xffff  }
0x90: {  	v2 =	vadd.s32 v2, v5;
	v3 =	vand.u32 $0x380, v3  }
0x91: {  	v2 =	vor.u32 v3, v2  }
0x92: {  	s20 =	sshra.s32 s18, $0x2;
	v2 =	vadd.s32 s17, v2  }
0x93: {  	[tilespmem:s20+$0x14E00] =	vst v2  }
0x94: {  	[tilespmem:s20+$0x16E00] =	vst v4  }
0x95: {  	v2 =	vld [tilespmem:s15+$0xFFFFFFA0]  }
0x96: {  	v3 =	vld [tilespmem:s14+$0xFFFFFFA0];
	_ =	sdelay $0x3  }
0x97: {  	v38 =	vshll.u32 v2, $0x6  }
0x98: {  	v4 =	vadd.s32 v3, v38;
	_ =	sdelay $0x3  }
0x99: {  	v39 =	vshll.u32 v3, $0xA  }
0x9a: {  	v2 =	vshll.u32 v2, $0x10;
	v5 =	vand.u32 $0xFFFFE000, v39;
	v3 =	vshll.u32 v3, $0x7;
	v4 =	vld.idx.msk [tilespmem:v4+s3+$0x0], $0xffff  }
0x9b: {  	v2 =	vadd.s32 v2, v5;
	v3 =	vand.u32 $0x380, v3  }
0x9c: {  	v2 =	vor.u32 v3, v2  }
0x9d: {  	v2 =	vadd.s32 s17, v2  }
0x9e: {  	[tilespmem:s20+$0x14E10] =	vst v2  }
0x9f: {  	[tilespmem:s20+$0x16E10] =	vst v4  }
0xa0: {  	v2 =	vld [tilespmem:s15+$0xFFFFFFB0]  }
0xa1: {  	v3 =	vld [tilespmem:s14+$0xFFFFFFB0];
	_ =	sdelay $0x3  }
0xa2: {  	v40 =	vshll.u32 v2, $0x6  }
0xa3: {  	v4 =	vadd.s32 v3, v40;
	_ =	sdelay $0x3  }
0xa4: {  	v41 =	vshll.u32 v3, $0xA  }
0xa5: {  	v2 =	vshll.u32 v2, $0x10;
	v5 =	vand.u32 $0xFFFFE000, v41;
	v3 =	vshll.u32 v3, $0x7;
	v4 =	vld.idx.msk [tilespmem:v4+s3+$0x0], $0xffff  }
0xa6: {  	v2 =	vadd.s32 v2, v5;
	v3 =	vand.u32 $0x380, v3  }
0xa7: {  	v2 =	vor.u32 v3, v2  }
0xa8: {  	v2 =	vadd.s32 s17, v2  }
0xa9: {  	[tilespmem:s20+$0x14E20] =	vst v2  }
0xaa: {  	[tilespmem:s20+$0x16E20] =	vst v4  }
0xab: {  	v2 =	vld [tilespmem:s15+$0xFFFFFFC0]  }
0xac: {  	v3 =	vld [tilespmem:s14+$0xFFFFFFC0];
	_ =	sdelay $0x3  }
0xad: {  	v42 =	vshll.u32 v2, $0x6  }
0xae: {  	v4 =	vadd.s32 v3, v42;
	_ =	sdelay $0x3  }
0xaf: {  	v43 =	vshll.u32 v3, $0xA  }
0xb0: {  	v2 =	vshll.u32 v2, $0x10;
	v5 =	vand.u32 $0xFFFFE000, v43;
	v3 =	vshll.u32 v3, $0x7;
	v4 =	vld.idx.msk [tilespmem:v4+s3+$0x0], $0xffff  }
0xb1: {  	v2 =	vadd.s32 v2, v5;
	v3 =	vand.u32 $0x380, v3  }
0xb2: {  	v2 =	vor.u32 v3, v2  }
0xb3: {  	v2 =	vadd.s32 s17, v2  }
0xb4: {  	[tilespmem:s20+$0x14E30] =	vst v2  }
0xb5: {  	[tilespmem:s20+$0x16E30] =	vst v4  }
0xb6: {  	v2 =	vld [tilespmem:s15+$0xFFFFFFD0]  }
0xb7: {  	v3 =	vld [tilespmem:s14+$0xFFFFFFD0];
	_ =	sdelay $0x3  }
0xb8: {  	v44 =	vshll.u32 v2, $0x6  }
0xb9: {  	v4 =	vadd.s32 v3, v44;
	_ =	sdelay $0x3  }
0xba: {  	v45 =	vshll.u32 v3, $0xA  }
0xbb: {  	v2 =	vshll.u32 v2, $0x10;
	v5 =	vand.u32 $0xFFFFE000, v45;
	v3 =	vshll.u32 v3, $0x7;
	v4 =	vld.idx.msk [tilespmem:v4+s3+$0x0], $0xffff  }
0xbc: {  	v2 =	vadd.s32 v2, v5;
	v3 =	vand.u32 $0x380, v3  }
0xbd: {  	v2 =	vor.u32 v3, v2  }
0xbe: {  	v2 =	vadd.s32 s17, v2  }
0xbf: {  	[tilespmem:s20+$0x14E40] =	vst v2  }
0xc0: {  	[tilespmem:s20+$0x16E40] =	vst v4  }
0xc1: {  	v2 =	vld [tilespmem:s15+$0xFFFFFFE0]  }
0xc2: {  	v3 =	vld [tilespmem:s14+$0xFFFFFFE0];
	_ =	sdelay $0x3  }
0xc3: {  	v46 =	vshll.u32 v2, $0x6  }
0xc4: {  	v4 =	vadd.s32 v3, v46;
	_ =	sdelay $0x3  }
0xc5: {  	v47 =	vshll.u32 v3, $0xA  }
0xc6: {  	v2 =	vshll.u32 v2, $0x10;
	v5 =	vand.u32 $0xFFFFE000, v47;
	v3 =	vshll.u32 v3, $0x7;
	v4 =	vld.idx.msk [tilespmem:v4+s3+$0x0], $0xffff  }
0xc7: {  	v2 =	vadd.s32 v2, v5;
	v3 =	vand.u32 $0x380, v3  }
0xc8: {  	v2 =	vor.u32 v3, v2  }
0xc9: {  	v2 =	vadd.s32 s17, v2  }
0xca: {  	[tilespmem:s20+$0x14E50] =	vst v2  }
0xcb: {  	[tilespmem:s20+$0x16E50] =	vst v4  }
0xcc: {  	v2 =	vld [tilespmem:s15+$0xFFFFFFF0]  }
0xcd: {  	v3 =	vld [tilespmem:s14+$0xFFFFFFF0];
	_ =	sdelay $0x3  }
0xce: {  	v48 =	vshll.u32 v2, $0x6  }
0xcf: {  	v4 =	vadd.s32 v3, v48;
	_ =	sdelay $0x3  }
0xd0: {  	v49 =	vshll.u32 v3, $0xA  }
0xd1: {  	v2 =	vshll.u32 v2, $0x10;
	v5 =	vand.u32 $0xFFFFE000, v49;
	v3 =	vshll.u32 v3, $0x7;
	v4 =	vld.idx.msk [tilespmem:v4+s3+$0x0], $0xffff  }
0xd2: {  	v2 =	vadd.s32 v2, v5;
	v3 =	vand.u32 $0x380, v3  }
0xd3: {  	v2 =	vor.u32 v3, v2  }
0xd4: {  	v2 =	vadd.s32 s17, v2  }
0xd5: {  	[tilespmem:s20+$0x14E60] =	vst v2  }
0xd6: {  	[tilespmem:s20+$0x16E60] =	vst v4  }
0xd7: {  	v2 =	vld [tilespmem:s15+$0x0]  }
0xd8: {  	v3 =	vld [tilespmem:s14+$0x0];
	_ =	sdelay $0x3  }
0xd9: {  	v50 =	vshll.u32 v2, $0x6  }
0xda: {  	v4 =	vadd.s32 v3, v50;
	_ =	sdelay $0x3  }
0xdb: {  	v51 =	vshll.u32 v3, $0xA  }
0xdc: {  	v2 =	vshll.u32 v2, $0x10;
	v5 =	vand.u32 $0xFFFFE000, v51;
	v3 =	vshll.u32 v3, $0x7;
	v4 =	vld.idx.msk [tilespmem:v4+s3+$0x0], $0xffff  }
0xdd: {  	v2 =	vadd.s32 v2, v5;
	v3 =	vand.u32 $0x380, v3  }
0xde: {  	v2 =	vor.u32 v3, v2  }
0xdf: {  	v2 =	vadd.s32 s17, v2  }
0xe0: {  	[tilespmem:s20+$0x14E80] =	vst v2  }
0xe1: {  	[tilespmem:s20+$0x16E80] =	vst v4  }
0xe2: {  	v2 =	vld [tilespmem:s19+$0xFA80]  }
0xe3: {  	v3 =	vld [tilespmem:s19+$0x11680];
	_ =	sdelay $0x3  }
0xe4: {  	v52 =	vshll.u32 v2, $0x6  }
0xe5: {  	v4 =	vadd.s32 v3, v52;
	_ =	sdelay $0x3  }
0xe6: {  	v53 =	vshll.u32 v3, $0xA  }
0xe7: {  	v2 =	vshll.u32 v2, $0x10;
	v5 =	vand.u32 $0xFFFFE000, v53;
	v3 =	vshll.u32 v3, $0x7;
	v4 =	vld.idx.msk [tilespmem:v4+s3+$0x0], $0xffff  }
0xe8: {  	v2 =	vadd.s32 v2, v5;
	v3 =	vand.u32 $0x380, v3  }
0xe9: {  	v2 =	vor.u32 v3, v2  }
0xea: {  	v2 =	vadd.s32 s17, v2  }
0xeb: {  	[tilespmem:s20+$0x14E90] =	vst v2  }
0xec: {  	[tilespmem:s20+$0x16E90] =	vst v4  }
0xed: {  	v2 =	vld [tilespmem:s15+$0x20]  }
0xee: {  	v3 =	vld [tilespmem:s14+$0x20];
	_ =	sdelay $0x3  }
0xef: {  	v54 =	vshll.u32 v2, $0x6  }
0xf0: {  	v4 =	vadd.s32 v3, v54;
	_ =	sdelay $0x3  }
0xf1: {  	v55 =	vshll.u32 v3, $0xA  }
0xf2: {  	v2 =	vshll.u32 v2, $0x10;
	v5 =	vand.u32 $0xFFFFE000, v55;
	v3 =	vshll.u32 v3, $0x7;
	v4 =	vld.idx.msk [tilespmem:v4+s3+$0x0], $0xffff  }
0xf3: {  	v2 =	vadd.s32 v2, v5;
	v3 =	vand.u32 $0x380, v3  }
0xf4: {  	v2 =	vor.u32 v3, v2  }
0xf5: {  	v2 =	vadd.s32 s17, v2  }
0xf6: {  	[tilespmem:s20+$0x14EA0] =	vst v2  }
0xf7: {  	[tilespmem:s20+$0x16EA0] =	vst v4  }
0xf8: {  	v2 =	vld [tilespmem:s15+$0x30]  }
0xf9: {  	v3 =	vld [tilespmem:s14+$0x30];
	_ =	sdelay $0x3  }
0xfa: {  	v56 =	vshll.u32 v2, $0x6  }
0xfb: {  	v4 =	vadd.s32 v3, v56;
	_ =	sdelay $0x3  }
0xfc: {  	v57 =	vshll.u32 v3, $0xA  }
0xfd: {  	v2 =	vshll.u32 v2, $0x10;
	v5 =	vand.u32 $0xFFFFE000, v57;
	v3 =	vshll.u32 v3, $0x7;
	v4 =	vld.idx.msk [tilespmem:v4+s3+$0x0], $0xffff  }
0xfe: {  	v2 =	vadd.s32 v2, v5;
	v3 =	vand.u32 $0x380, v3  }
0xff: {  	v2 =	vor.u32 v3, v2  }
0x100: {  	v2 =	vadd.s32 s17, v2  }
0x101: {  	[tilespmem:s20+$0x14EB0] =	vst v2  }
0x102: {  	[tilespmem:s20+$0x16EB0] =	vst v4  }
0x103: {  	v2 =	vld [tilespmem:s15+$0x40]  }
0x104: {  	v3 =	vld [tilespmem:s14+$0x40];
	_ =	sdelay $0x3  }
0x105: {  	v58 =	vshll.u32 v2, $0x6  }
0x106: {  	v4 =	vadd.s32 v3, v58;
	_ =	sdelay $0x3  }
0x107: {  	v59 =	vshll.u32 v3, $0xA  }
0x108: {  	v2 =	vshll.u32 v2, $0x10;
	v5 =	vand.u32 $0xFFFFE000, v59;
	v3 =	vshll.u32 v3, $0x7;
	v4 =	vld.idx.msk [tilespmem:v4+s3+$0x0], $0xffff  }
0x109: {  	v2 =	vadd.s32 v2, v5;
	v3 =	vand.u32 $0x380, v3  }
0x10a: {  	v2 =	vor.u32 v3, v2  }
0x10b: {  	v2 =	vadd.s32 s17, v2  }
0x10c: {  	[tilespmem:s20+$0x14EC0] =	vst v2  }
0x10d: {  	[tilespmem:s20+$0x16EC0] =	vst v4  }
0x10e: {  	v2 =	vld [tilespmem:s15+$0x50]  }
0x10f: {  	v3 =	vld [tilespmem:s14+$0x50];
	_ =	sdelay $0x3  }
0x110: {  	v60 =	vshll.u32 v2, $0x6  }
0x111: {  	v4 =	vadd.s32 v3, v60;
	_ =	sdelay $0x3  }
0x112: {  	v61 =	vshll.u32 v3, $0xA  }
0x113: {  	v2 =	vshll.u32 v2, $0x10;
	v5 =	vand.u32 $0xFFFFE000, v61;
	v3 =	vshll.u32 v3, $0x7;
	v4 =	vld.idx.msk [tilespmem:v4+s3+$0x0], $0xffff  }
0x114: {  	v2 =	vadd.s32 v2, v5;
	v3 =	vand.u32 $0x380, v3  }
0x115: {  	v2 =	vor.u32 v3, v2  }
0x116: {  	v2 =	vadd.s32 s17, v2  }
0x117: {  	[tilespmem:s20+$0x14ED0] =	vst v2  }
0x118: {  	[tilespmem:s20+$0x16ED0] =	vst v4  }
0x119: {  	v2 =	vld [tilespmem:s15+$0x60]  }
0x11a: {  	v3 =	vld [tilespmem:s14+$0x60];
	_ =	sdelay $0x3  }
0x11b: {  	v62 =	vshll.u32 v2, $0x6  }
0x11c: {  	v4 =	vadd.s32 v3, v62;
	_ =	sdelay $0x3  }
0x11d: {  	v63 =	vshll.u32 v3, $0xA  }
0x11e: {  	v2 =	vshll.u32 v2, $0x10;
	v5 =	vand.u32 $0xFFFFE000, v63;
	v3 =	vshll.u32 v3, $0x7;
	v4 =	vld.idx.msk [tilespmem:v4+s3+$0x0], $0xffff  }
0x11f: {  	v2 =	vadd.s32 v2, v5;
	v3 =	vand.u32 $0x380, v3  }
0x120: {  	v2 =	vor.u32 v3, v2  }
0x121: {  	v2 =	vadd.s32 s17, v2  }
0x122: {  	[tilespmem:s20+$0x14EE0] =	vst v2  }
0x123: {  	[tilespmem:s20+$0x16EE0] =	vst v4  }
0x124: {  	v2 =	vld [tilespmem:s15+$0xFFFFFF90]  }
0x125: {  	v3 =	vld [tilespmem:s14+$0xFFFFFF90];
	_ =	sdelay $0x3  }
0x126: {  	v2 =	vshll.u32 v2, $0x6  }
0x127: {  	v2 =	vadd.s32 v3, v2;
	_ =	sdelay $0x4  }
0x128: {  	[tilespmem:v2+s3+$0x0] =	vst.idx.msk $0xffff, v0  }
0x129: {  	v2 =	vld [tilespmem:s15+$0xFFFFFFA0]  }
0x12a: {  	v3 =	vld [tilespmem:s14+$0xFFFFFFA0];
	_ =	sdelay $0x3  }
0x12b: {  	v2 =	vshll.u32 v2, $0x6  }
0x12c: {  	v2 =	vadd.s32 v3, v2;
	_ =	sdelay $0x4  }
0x12d: {  	[tilespmem:v2+s3+$0x0] =	vst.idx.msk $0xffff, v0  }
0x12e: {  	v2 =	vld [tilespmem:s15+$0xFFFFFFB0]  }
0x12f: {  	v3 =	vld [tilespmem:s14+$0xFFFFFFB0];
	_ =	sdelay $0x3  }
0x130: {  	v2 =	vshll.u32 v2, $0x6  }
0x131: {  	v2 =	vadd.s32 v3, v2;
	_ =	sdelay $0x4  }
0x132: {  	[tilespmem:v2+s3+$0x0] =	vst.idx.msk $0xffff, v0  }
0x133: {  	v2 =	vld [tilespmem:s15+$0xFFFFFFC0]  }
0x134: {  	v3 =	vld [tilespmem:s14+$0xFFFFFFC0];
	_ =	sdelay $0x3  }
0x135: {  	v2 =	vshll.u32 v2, $0x6  }
0x136: {  	v2 =	vadd.s32 v3, v2;
	_ =	sdelay $0x4  }
0x137: {  	[tilespmem:v2+s3+$0x0] =	vst.idx.msk $0xffff, v0  }
0x138: {  	v2 =	vld [tilespmem:s15+$0xFFFFFFD0]  }
0x139: {  	v3 =	vld [tilespmem:s14+$0xFFFFFFD0];
	_ =	sdelay $0x3  }
0x13a: {  	v2 =	vshll.u32 v2, $0x6  }
0x13b: {  	v2 =	vadd.s32 v3, v2;
	_ =	sdelay $0x4  }
0x13c: {  	[tilespmem:v2+s3+$0x0] =	vst.idx.msk $0xffff, v0  }
0x13d: {  	v2 =	vld [tilespmem:s15+$0xFFFFFFE0]  }
0x13e: {  	v3 =	vld [tilespmem:s14+$0xFFFFFFE0];
	_ =	sdelay $0x3  }
0x13f: {  	v2 =	vshll.u32 v2, $0x6  }
0x140: {  	v2 =	vadd.s32 v3, v2;
	_ =	sdelay $0x4  }
0x141: {  	[tilespmem:v2+s3+$0x0] =	vst.idx.msk $0xffff, v0  }
0x142: {  	v2 =	vld [tilespmem:s15+$0xFFFFFFF0]  }
0x143: {  	v3 =	vld [tilespmem:s14+$0xFFFFFFF0];
	_ =	sdelay $0x3  }
0x144: {  	v2 =	vshll.u32 v2, $0x6  }
0x145: {  	v2 =	vadd.s32 v3, v2;
	_ =	sdelay $0x4  }
0x146: {  	[tilespmem:v2+s3+$0x0] =	vst.idx.msk $0xffff, v0  }
0x147: {  	v2 =	vld [tilespmem:s15+$0x0]  }
0x148: {  	v3 =	vld [tilespmem:s14+$0x0];
	_ =	sdelay $0x3  }
0x149: {  	v2 =	vshll.u32 v2, $0x6  }
0x14a: {  	v2 =	vadd.s32 v3, v2;
	_ =	sdelay $0x4  }
0x14b: {  	[tilespmem:v2+s3+$0x0] =	vst.idx.msk $0xffff, v0  }
0x14c: {  	v2 =	vld [tilespmem:s19+$0xFA80]  }
0x14d: {  	v3 =	vld [tilespmem:s19+$0x11680];
	_ =	sdelay $0x3  }
0x14e: {  	v2 =	vshll.u32 v2, $0x6  }
0x14f: {  	v2 =	vadd.s32 v3, v2;
	_ =	sdelay $0x4  }
0x150: {  	[tilespmem:v2+s3+$0x0] =	vst.idx.msk $0xffff, v0  }
0x151: {  	v2 =	vld [tilespmem:s15+$0x20]  }
0x152: {  	v3 =	vld [tilespmem:s14+$0x20];
	_ =	sdelay $0x3  }
0x153: {  	v2 =	vshll.u32 v2, $0x6  }
0x154: {  	v2 =	vadd.s32 v3, v2;
	_ =	sdelay $0x4  }
0x155: {  	[tilespmem:v2+s3+$0x0] =	vst.idx.msk $0xffff, v0  }
0x156: {  	v2 =	vld [tilespmem:s15+$0x30]  }
0x157: {  	v3 =	vld [tilespmem:s14+$0x30];
	_ =	sdelay $0x3  }
0x158: {  	v2 =	vshll.u32 v2, $0x6  }
0x159: {  	v2 =	vadd.s32 v3, v2;
	_ =	sdelay $0x4  }
0x15a: {  	[tilespmem:v2+s3+$0x0] =	vst.idx.msk $0xffff, v0  }
0x15b: {  	v2 =	vld [tilespmem:s15+$0x40]  }
0x15c: {  	v3 =	vld [tilespmem:s14+$0x40];
	_ =	sdelay $0x3  }
0x15d: {  	v2 =	vshll.u32 v2, $0x6  }
0x15e: {  	v2 =	vadd.s32 v3, v2;
	_ =	sdelay $0x4  }
0x15f: {  	[tilespmem:v2+s3+$0x0] =	vst.idx.msk $0xffff, v0  }
0x160: {  	v2 =	vld [tilespmem:s15+$0x50]  }
0x161: {  	v3 =	vld [tilespmem:s14+$0x50];
	_ =	sdelay $0x3  }
0x162: {  	v2 =	vshll.u32 v2, $0x6  }
0x163: {  	v2 =	vadd.s32 v3, v2;
	_ =	sdelay $0x4  }
0x164: {  	[tilespmem:v2+s3+$0x0] =	vst.idx.msk $0xffff, v0  }
0x165: {  	v2 =	vld [tilespmem:s15+$0x60]  }
0x166: {  	v3 =	vld [tilespmem:s14+$0x60];
	_ =	sdelay $0x3  }
0x167: {  	v2 =	vshll.u32 v2, $0x6  }
0x168: {  	v2 =	vadd.s32 v3, v2;
	_ =	sdelay $0x2  }
0x169: {  	p0 =	sne.s32 s18, $0x7C00;
	s16 =	sadd.s32 $0xE0, s16;
	s18 =	sadd.s32 $0x400, s18  }
.Ltmp4:
0x16a: {  	s30 =	sadd.s32 $0x14E00, s20;
	s21 =	sadd.s32 $0x16E00, s20;
	(pc) =	sbr.rel @p0 .LBB2_10-.Ltmp4, $4  }
0x16b: {  	s31 =	sadd.s32 $0x14E80, s20;
	s13 =	sadd.s32 $0xE0, s13;
	s17 =	sadd.s32 $0x1, s17;
	[tilespmem:v2+s3+$0x0] =	vst.idx.msk $0xffff, v0  }
0x16c: {  	[hbm4b:s2+s10] =	stream.indirect.scatter [tilespmem:s21], [sflag:$0x2], $0x1, s30, s10, $0xb8;
	[tilespmem:$0x18E00] =	vst v63  }
0x16d: {  	s20 =	sadd.s32 $0x16E80, s20;
	s14 =	sadd.s32 $0xE0, s14;
	s15 =	sadd.s32 $0xE0, s15  }
0x16e: {  	[hbm4b:s2+s10] =	stream.indirect.scatter [tilespmem:s20], [sflag:$0x2], $0x1, s31, s10, $0xb8;
	[tilespmem:$0x18E00] =	vst v63  }
0x16f: {  	_ =	swait.ge [sflag:s11], $0x70  }
0x170: {  	s13 =	simm.s32 $0x3F;
	[sflag:s11] =	ssyncset.done $0x0  }
.LBB2_12:
0x171: {  	p0 =	sne.s32 s13, $0x1;
	s13 =	sadd.s32 $0xFFFFFFFF, s13;
	[sflag:s11] =	ssyncadd.s32 $0xFFFFFF90  }
.Ltmp5:
0x172: {  	(pc) =	sbr.rel @p0 .LBB2_12-.Ltmp5, $3  }
0x173: {  	_ =	sdelay $0x1  }
0x174: {  	_ =	swait.ge [sflag:s11], $0x70  }
0x175: {  	[sflag:s11] =	ssyncset.done $0x0  }
0x176: {  	s12 =	sadd.s32 $0x1, s12  }
0x177: {  	p0 =	sne.s32 s12, s4  }
.Ltmp6:
0x178: {  	_ = 	snop;
	(pc) =	sbr.rel @p0 .LBB2_1-.Ltmp6, $2  }
0x179: {  	_ =	sdelay $0x2  }
0x17a: {  	[sflag:s11] =	ssyncadd.s32 $0xFFFFFF90  }
0x17b: {  	_ =	sfence.sel $0x180000  }
0x17c: {  	[bflag:$0x0] =	sbarrier.arrive $0xFFFF  }
0x17d: {  	p0 =	sne.s32 s1, $0x0;
	_ =	strace $0x90000047  }
0x17e: {  	s0 =	sadd.s32 @!p0 $0x100000, s0;
	[bflag:$0x2] =	sbarrier.arrive $0xFFFF  }
0x17f: {  	[sflag:s0] =	ssyncadd.tile.s32 @!p0 $0x1;
	_ =	shalt  }
.Lfunc_end2:
_tile_overlayer_lowered:
.L_overlay_start_2:
0x180: {  	(tag) =	ssettag $0x2  }
0x181: {  	s0 =	rddreg [dreg:$0x0];
	s2 =	stileid.u32  }
0x182: {  	s1 =	rddreg [dreg:$0x1];
	p0 =	sne.s32 s2, $0x0  }
0x183: {  	s3 =	rddreg [dreg:$0x2];
	[bflag:$0x3] =	sbarrier.arrive $0xFFFF;
	s2 =	simm.s32 @!p0 $0x1C03  }
0x184: {  	[timem:s3], [sflag:s2] =	dma.local @!p0 [hbm:s0], s1  }
0x185: {  	s0 =	simm.s32 @!p0 $0x3  }
0x186: {  	_ =	swait.ge @!p0 [sflag:s0], s1  }
0x187: {  	s1 =	ssub.s32 @!p0 $0x0, s1;
	[sflag:s0] =	ssyncset.done @!p0 $0x0  }
0x188: {  	[sflag:s0] =	ssyncadd.s32 @!p0 s1  }
0x189: {  	[bflag:$0x3] =	sbarrier.arrive $0xFFFF  }
0x18a: {  	_ =	shalt  }

</sc_bundles>
